<compile_context>
chip_gen: v7x
topology: tpu7x:2x2x1
jax: 0.10.2.dev20260603
libtpu: 0.0.44.dev20260713+nightly
codegen_flags: <defaults>
</compile_context>

<pallas_src>
import functools

import jax
import jax.numpy as jnp
from jax import lax
from jax.experimental import pallas as pl
from jax.experimental.pallas import tpu as pltpu
from jax.experimental.pallas import tpu_sc as plsc

N_NODES = 10000
D = 128
E = 320000
T = 3

NC = 2
NS = 16
NW = NC * NS

N_PAD = 10240
ROWS_PER_SUB = N_PAD // NS

EPW = E // NW
CH = 200
NCHUNK = EPW // CH


def _sc_segment_sums(x, src, dst, zeros):
    mesh = plsc.VectorSubcoreMesh(core_axis_name="c", subcore_axis_name="s")

    @functools.partial(
        pl.kernel,
        out_type=jax.ShapeDtypeStruct((T, NC, N_PAD, D), jnp.float32),
        mesh=mesh,
        scratch_types=[
            pltpu.VMEM((EPW,), jnp.int32),
            pltpu.VMEM((EPW,), jnp.int32),
            pltpu.VMEM((CH, D), jnp.float32),
            pltpu.VMEM_SHARED((N_PAD, D), jnp.float32),
        ],
    )
    def k(x_hbm, src_hbm, dst_hbm, z_hbm, out_hbm,
          src_v, dst_v, rows_v, agg):
        c = lax.axis_index("c")
        s = lax.axis_index("s")
        wid = c * NS + s
        pltpu.sync_copy(z_hbm, agg.at[pl.ds(s * ROWS_PER_SUB, ROWS_PER_SUB)])
        plsc.subcore_barrier()

        for t in range(T):
            pltpu.sync_copy(src_hbm.at[t, wid], src_v)
            pltpu.sync_copy(dst_hbm.at[t, wid], dst_v)

            @pl.loop(0, NCHUNK)
            def _(j):
                pltpu.sync_copy(x_hbm.at[src_v.at[pl.ds(j * CH, CH)]], rows_v)
                pltpu.sync_copy(rows_v,
                                agg.at[dst_v.at[pl.ds(j * CH, CH)]], add=True)

            plsc.subcore_barrier()
            pltpu.sync_copy(
                agg.at[pl.ds(s * ROWS_PER_SUB, ROWS_PER_SUB)],
                out_hbm.at[t, c, pl.ds(s * ROWS_PER_SUB, ROWS_PER_SUB)],
            )
            plsc.subcore_barrier()

    return k(x, src, dst, zeros)


def _tc_combine(parts, Ws, bs, fcW, fcb):
    R = 1024

    def body(p_ref, w_ref, b_ref, fw_ref, fb_ref, o_ref):
        acc = jnp.zeros((R, D), jnp.float32) + fb_ref[...]
        prev = jnp.zeros((R, D), jnp.float32)
        for t in range(T):
            cum = p_ref[t, 0] + p_ref[t, 1]
            agg = cum - prev
            prev = cum
            h = jnp.dot(agg, w_ref[t], preferred_element_type=jnp.float32)
            h = h + b_ref[t]
            h = jnp.where(h >= 0, h, 0.01 * h)
            acc = acc + jnp.dot(h, fw_ref[t], preferred_element_type=jnp.float32)
        o_ref[...] = jnp.where(acc >= 0, acc, 0.01 * acc)

    return pl.pallas_call(
        body,
        grid=(N_PAD // R,),
        in_specs=[
            pl.BlockSpec((T, NC, R, D), lambda i: (0, 0, i, 0)),
            pl.BlockSpec((T, D, D), lambda i: (0, 0, 0)),
            pl.BlockSpec((T, 1, D), lambda i: (0, 0, 0)),
            pl.BlockSpec((T, D, D), lambda i: (0, 0, 0)),
            pl.BlockSpec((1, D), lambda i: (0, 0)),
        ],
        out_specs=pl.BlockSpec((R, D), lambda i: (i, 0)),
        out_shape=jax.ShapeDtypeStruct((N_PAD, D), jnp.float32),
    )(parts, Ws, bs, fcW, fcb)


def kernel(x, adj0, adj1, adj2, W0, b0, W1, b1, W2, b2, fc_W, fc_b):
    adj = jnp.stack([adj0, adj1, adj2]).astype(jnp.int32)
    src = adj[:, 0].reshape(T, NW, EPW)
    dst = adj[:, 1].reshape(T, NW, EPW)
    zeros = jnp.zeros((ROWS_PER_SUB, D), jnp.float32)

    parts = _sc_segment_sums(x, src, dst, zeros)

    Ws = jnp.stack([W0, W1, W2])
    bs = jnp.stack([b0, b1, b2])[:, None, :]
    fcW = fc_W.reshape(T, D, D)
    out = _tc_combine(parts, Ws, bs, fcW, fc_b[None])
    return out[:N_NODES]

# --- scband reference (transcript-rebuilt; emitter-appended) ---
"""Pipeline reference for scband-parallel-gnn-25546465476888 (READ-ONLY COPY).

The authoritative reference and input builder live on the scoring server;
editing this copy changes nothing except your own understanding.
"""

import jax, jax.numpy as jnp
import numpy as np

N_NODES = 10000
N_EDGES = 320000
D_FEAT = 128
D_OUT = 128
N_TYPES = 3


def setup_inputs(seed: int = 0) -> dict:
    key = jax.random.key(seed)
    ks = jax.random.split(key, 16)
    inp = {}
    inp["x"] = jax.random.normal(ks[0], (N_NODES, D_FEAT), dtype=jnp.float32)
    for i in range(N_TYPES):
        inp[f"adj{i}"] = jax.random.randint(ks[1 + i], (2, N_EDGES), 0, N_NODES, dtype=jnp.int64)
    # Per-edge-type GNN weights (graph-conv style: aggregate then linear)
    for i in range(N_TYPES):
        inp[f"W{i}"] = jax.random.normal(ks[4 + i], (D_FEAT, D_FEAT), dtype=jnp.float32) * (1.0 / np.sqrt(D_FEAT))
        inp[f"b{i}"] = jnp.zeros((D_FEAT,), dtype=jnp.float32)
    # Final fc (LazyLinear materialized: in = 3 * D_FEAT)
    inp["fc_W"] = jax.random.normal(ks[8], (N_TYPES * D_FEAT, D_OUT), dtype=jnp.float32) * (1.0 / np.sqrt(N_TYPES * D_FEAT))
    inp["fc_b"] = jnp.zeros((D_OUT,), dtype=jnp.float32)
    return inp


def _gnn_layer(x, edge_index, W, b):
    src = edge_index[0]
    dst = edge_index[1]
    msgs = jnp.take(x, src, axis=0)
    agg = jax.ops.segment_sum(msgs, dst, num_segments=x.shape[0])
    return agg @ W + b


def reference(x, adj0, adj1, adj2, W0, b0, W1, b1, W2, b2, fc_W, fc_b):
    adjs = [adj0, adj1, adj2]
    Ws = [W0, W1, W2]
    bs = [b0, b1, b2]
    outs = []
    for i in range(N_TYPES):
        outs.append(_gnn_layer(x, adjs[i], Ws[i], bs[i]))
    out = jnp.concatenate(outs, axis=1)
    out = jax.nn.leaky_relu(out, negative_slope=0.01)
    out = out @ fc_W + fc_b
    out = jax.nn.leaky_relu(out, negative_slope=0.01)
    return out

if __name__ == "__main__":
    import jax
    _d = setup_inputs()
    print(jax.jit(kernel)(*tuple(_d.values())))

</pallas_src>

<mosaic_0001>
#map = affine_map<(d0, d1) -> (0, 0)>
#map1 = affine_map<(d0, d1) -> (0, 0, 0)>
#map2 = affine_map<(d0, d1) -> (0, 0, 0, 0)>
module attributes {stable_mosaic.version = 14 : i64} {
  func.func @k(%arg0: i32, %arg1: i32, %arg2: memref<10000x128xf32, #tpu.memory_space<hbm>>, %arg3: memref<3x32x10000xi32, #tpu.memory_space<hbm>>, %arg4: memref<3x32x10000xi32, #tpu.memory_space<hbm>>, %arg5: memref<640x128xf32, #tpu.memory_space<hbm>>, %arg6: memref<3x2x10240x128xf32, #tpu.memory_space<hbm>>, %arg7: memref<10000xi32, #tpu.memory_space<vmem>>, %arg8: memref<10000xi32, #tpu.memory_space<vmem>>, %arg9: memref<200x128xf32, #tpu.memory_space<vmem>>, %arg10: memref<10240x128xf32, #tpu.memory_space<vmem_shared>>) attributes {dimension_semantics = [#tpu.dimension_semantics<core_parallel>, #tpu.dimension_semantics<subcore_parallel>], iteration_bounds = array<i64: 2, 16>, scalar_prefetch = 0 : i64, scratch_operands = 4 : i64, tpu.core_type = #tpu.core_type<sc_vector_subcore>, window_params = [{transform_indices = #map}, {transform_indices = #map1}, {transform_indices = #map1}, {transform_indices = #map}, {transform_indices = #map2}]} {
    %mul3A = arith.constant 16 : i32
    %mul3A_0 = arith.muli %arg0, %mul3A : i32
    %add3A = arith.addi %mul3A_0, %arg1 : i32
    %mul3A_1 = arith.constant 640 : i32
    %mul3A_2 = arith.muli %arg1, %mul3A_1 : i32
    "tpu.region"() ({
      %run_scoped3A_43 = tpu.sem_alloc : memref<!tpu.dma_semaphore, #tpu.memory_space<semaphore_mem>>
      %dma_start3A = arith.constant 0 : i32
      %dma_start3A_44 = tpu.memref_slice %arg10[%mul3A_2, %dma_start3A] : memref<10240x128xf32, #tpu.memory_space<vmem_shared>> -> memref<640x128xf32, #tpu.memory_space<vmem_shared>>
      tpu.enqueue_dma source(%arg5 : memref<640x128xf32, #tpu.memory_space<hbm>>) target(%dma_start3A_44 : memref<640x128xf32, #tpu.memory_space<vmem_shared>>) target_semaphore(%run_scoped3A_43 : memref<!tpu.dma_semaphore, #tpu.memory_space<semaphore_mem>>)
      %dma_wait3A = arith.constant 0 : i32
      %dma_wait3A_45 = tpu.memref_slice %arg10[%mul3A_2, %dma_wait3A] : memref<10240x128xf32, #tpu.memory_space<vmem_shared>> -> memref<640x128xf32, #tpu.memory_space<vmem_shared>>
      tpu.wait_dma2 semaphore(%run_scoped3A_43 : memref<!tpu.dma_semaphore, #tpu.memory_space<semaphore_mem>>) src(%arg5 : memref<640x128xf32, #tpu.memory_space<hbm>>) dst(%dma_wait3A_45 : memref<640x128xf32, #tpu.memory_space<vmem_shared>>)
      tpu.yield
    }) : () -> ()
    %barrier3A = arith.constant 0 : index
    tpu.barrier barrier_id(%barrier3A)
    %run_scoped3A = arith.constant 0 : i32
    "tpu.region"() ({
      %run_scoped3A_43 = tpu.sem_alloc : memref<!tpu.dma_semaphore, #tpu.memory_space<semaphore_mem>>
      %dma_start3A = arith.constant 0 : i32
      %dma_start3A_44 = tpu.memref_slice %arg3[%run_scoped3A, %add3A, %dma_start3A] : memref<3x32x10000xi32, #tpu.memory_space<hbm>> -> memref<1x1x10000xi32, #tpu.memory_space<hbm>>
      %dma_start3A_45 = tpu.memref_squeeze %dma_start3A_44 : memref<1x1x10000xi32, #tpu.memory_space<hbm>> -> memref<10000xi32, #tpu.memory_space<hbm>>
      %dma_start3A_46 = arith.constant 0 : i32
      %dma_start3A_47 = tpu.memref_slice %arg3[%run_scoped3A, %add3A, %dma_start3A_46] : memref<3x32x10000xi32, #tpu.memory_space<hbm>> -> memref<1x1x10000xi32, #tpu.memory_space<hbm>>
      %dma_start3A_48 = tpu.memref_squeeze %dma_start3A_47 : memref<1x1x10000xi32, #tpu.memory_space<hbm>> -> memref<10000xi32, #tpu.memory_space<hbm>>
      tpu.enqueue_dma source(%dma_start3A_48 : memref<10000xi32, #tpu.memory_space<hbm>>) target(%arg7 : memref<10000xi32, #tpu.memory_space<vmem>>) target_semaphore(%run_scoped3A_43 : memref<!tpu.dma_semaphore, #tpu.memory_space<semaphore_mem>>)
      %dma_wait3A = arith.constant 0 : i32
      %dma_wait3A_49 = tpu.memref_slice %arg3[%run_scoped3A, %add3A, %dma_wait3A] : memref<3x32x10000xi32, #tpu.memory_space<hbm>> -> memref<1x1x10000xi32, #tpu.memory_space<hbm>>
      %dma_wait3A_50 = tpu.memref_squeeze %dma_wait3A_49 : memref<1x1x10000xi32, #tpu.memory_space<hbm>> -> memref<10000xi32, #tpu.memory_space<hbm>>
      %dma_wait3A_51 = arith.constant 0 : i32
      %dma_wait3A_52 = tpu.memref_slice %arg3[%run_scoped3A, %add3A, %dma_wait3A_51] : memref<3x32x10000xi32, #tpu.memory_space<hbm>> -> memref<1x1x10000xi32, #tpu.memory_space<hbm>>
      %dma_wait3A_53 = tpu.memref_squeeze %dma_wait3A_52 : memref<1x1x10000xi32, #tpu.memory_space<hbm>> -> memref<10000xi32, #tpu.memory_space<hbm>>
      tpu.wait_dma2 semaphore(%run_scoped3A_43 : memref<!tpu.dma_semaphore, #tpu.memory_space<semaphore_mem>>) src(%dma_wait3A_53 : memref<10000xi32, #tpu.memory_space<hbm>>) dst(%arg7 : memref<10000xi32, #tpu.memory_space<vmem>>)
      tpu.yield
    }) : () -> ()
    %run_scoped3A_3 = arith.constant 0 : i32
    "tpu.region"() ({
      %run_scoped3A_43 = tpu.sem_alloc : memref<!tpu.dma_semaphore, #tpu.memory_space<semaphore_mem>>
      %dma_start3A = arith.constant 0 : i32
      %dma_start3A_44 = tpu.memref_slice %arg4[%run_scoped3A_3, %add3A, %dma_start3A] : memref<3x32x10000xi32, #tpu.memory_space<hbm>> -> memref<1x1x10000xi32, #tpu.memory_space<hbm>>
      %dma_start3A_45 = tpu.memref_squeeze %dma_start3A_44 : memref<1x1x10000xi32, #tpu.memory_space<hbm>> -> memref<10000xi32, #tpu.memory_space<hbm>>
      %dma_start3A_46 = arith.constant 0 : i32
      %dma_start3A_47 = tpu.memref_slice %arg4[%run_scoped3A_3, %add3A, %dma_start3A_46] : memref<3x32x10000xi32, #tpu.memory_space<hbm>> -> memref<1x1x10000xi32, #tpu.memory_space<hbm>>
      %dma_start3A_48 = tpu.memref_squeeze %dma_start3A_47 : memref<1x1x10000xi32, #tpu.memory_space<hbm>> -> memref<10000xi32, #tpu.memory_space<hbm>>
      tpu.enqueue_dma source(%dma_start3A_48 : memref<10000xi32, #tpu.memory_space<hbm>>) target(%arg8 : memref<10000xi32, #tpu.memory_space<vmem>>) target_semaphore(%run_scoped3A_43 : memref<!tpu.dma_semaphore, #tpu.memory_space<semaphore_mem>>)
      %dma_wait3A = arith.constant 0 : i32
      %dma_wait3A_49 = tpu.memref_slice %arg4[%run_scoped3A_3, %add3A, %dma_wait3A] : memref<3x32x10000xi32, #tpu.memory_space<hbm>> -> memref<1x1x10000xi32, #tpu.memory_space<hbm>>
      %dma_wait3A_50 = tpu.memref_squeeze %dma_wait3A_49 : memref<1x1x10000xi32, #tpu.memory_space<hbm>> -> memref<10000xi32, #tpu.memory_space<hbm>>
      %dma_wait3A_51 = arith.constant 0 : i32
      %dma_wait3A_52 = tpu.memref_slice %arg4[%run_scoped3A_3, %add3A, %dma_wait3A_51] : memref<3x32x10000xi32, #tpu.memory_space<hbm>> -> memref<1x1x10000xi32, #tpu.memory_space<hbm>>
      %dma_wait3A_53 = tpu.memref_squeeze %dma_wait3A_52 : memref<1x1x10000xi32, #tpu.memory_space<hbm>> -> memref<10000xi32, #tpu.memory_space<hbm>>
      tpu.wait_dma2 semaphore(%run_scoped3A_43 : memref<!tpu.dma_semaphore, #tpu.memory_space<semaphore_mem>>) src(%dma_wait3A_53 : memref<10000xi32, #tpu.memory_space<hbm>>) dst(%arg8 : memref<10000xi32, #tpu.memory_space<vmem>>)
      tpu.yield
    }) : () -> ()
    %scan3A = arith.constant 0 : i32
    %scan3A_4 = arith.constant 50 : i32
    %scan3A_5 = arith.addi %scan3A, %scan3A_4 : i32
    %scan3A_6 = arith.constant 1 : i32
    scf.for %scan3A_43 = %scan3A to %scan3A_5 step %scan3A_6  : i32 {
      %mul3A_44 = arith.constant 1 : i32
      %mul3A_45 = arith.muli %scan3A_43, %mul3A_44 : i32
      %add3A_46 = arith.constant 0 : i32
      %add3A_47 = arith.addi %add3A_46, %mul3A_45 : i32
      %mul3A_48 = arith.constant 200 : i32
      %mul3A_49 = arith.muli %add3A_47, %mul3A_48 : i32
      "tpu.region"() ({
        %run_scoped3A_52 = tpu.sem_alloc : memref<!tpu.dma_semaphore, #tpu.memory_space<semaphore_mem>>
        %dma_start3A = tpu.memref_slice %arg7[%mul3A_49] : memref<10000xi32, #tpu.memory_space<vmem>> -> memref<200xi32, #tpu.memory_space<vmem>>
        %dma_start3A_53 = arith.constant 0 : i32
        %dma_start3A_54 = arith.constant 0 : i32
        %dma_start3A_55 = tpu.memref_slice %arg2[%dma_start3A_53, %dma_start3A_54] : memref<10000x128xf32, #tpu.memory_space<hbm>> -> memref<10000x128xf32, #tpu.memory_space<hbm>>
        tpu.enqueue_indirect_dma source(%dma_start3A_55 : memref<10000x128xf32, #tpu.memory_space<hbm>>) target(%arg9 : memref<200x128xf32, #tpu.memory_space<vmem>>) offsets(%dma_start3A : memref<200xi32, #tpu.memory_space<vmem>>) semaphore(%run_scoped3A_52 : memref<!tpu.dma_semaphore, #tpu.memory_space<semaphore_mem>>)
        %dma_wait3A = tpu.memref_slice %arg7[%mul3A_49] : memref<10000xi32, #tpu.memory_space<vmem>> -> memref<200xi32, #tpu.memory_space<vmem>>
        %dma_wait3A_56 = arith.constant 0 : i32
        %dma_wait3A_57 = arith.constant 0 : i32
        %dma_wait3A_58 = tpu.memref_slice %arg2[%dma_wait3A_56, %dma_wait3A_57] : memref<10000x128xf32, #tpu.memory_space<hbm>> -> memref<10000x128xf32, #tpu.memory_space<hbm>>
        tpu.wait_indirect_dma semaphore(%run_scoped3A_52 : memref<!tpu.dma_semaphore, #tpu.memory_space<semaphore_mem>>) src(%dma_wait3A_58 : memref<10000x128xf32, #tpu.memory_space<hbm>>) dst(%arg9 : memref<200x128xf32, #tpu.memory_space<vmem>>)
        tpu.yield
      }) : () -> ()
      %mul3A_50 = arith.constant 200 : i32
      %mul3A_51 = arith.muli %add3A_47, %mul3A_50 : i32
      "tpu.region"() ({
        %run_scoped3A_52 = tpu.sem_alloc : memref<!tpu.dma_semaphore, #tpu.memory_space<semaphore_mem>>
        %dma_start3A = tpu.memref_slice %arg8[%mul3A_51] : memref<10000xi32, #tpu.memory_space<vmem>> -> memref<200xi32, #tpu.memory_space<vmem>>
        %dma_start3A_53 = arith.constant 0 : i32
        %dma_start3A_54 = arith.constant 0 : i32
        %dma_start3A_55 = tpu.memref_slice %arg10[%dma_start3A_53, %dma_start3A_54] : memref<10240x128xf32, #tpu.memory_space<vmem_shared>> -> memref<10240x128xf32, #tpu.memory_space<vmem_shared>>
        tpu.enqueue_indirect_dma source(%arg9 : memref<200x128xf32, #tpu.memory_space<vmem>>) target(%dma_start3A_55 : memref<10240x128xf32, #tpu.memory_space<vmem_shared>>) offsets(%dma_start3A : memref<200xi32, #tpu.memory_space<vmem>>) semaphore(%run_scoped3A_52 : memref<!tpu.dma_semaphore, #tpu.memory_space<semaphore_mem>>) {add = true}
        %dma_wait3A = tpu.memref_slice %arg8[%mul3A_51] : memref<10000xi32, #tpu.memory_space<vmem>> -> memref<200xi32, #tpu.memory_space<vmem>>
        %dma_wait3A_56 = arith.constant 0 : i32
        %dma_wait3A_57 = arith.constant 0 : i32
        %dma_wait3A_58 = tpu.memref_slice %arg10[%dma_wait3A_56, %dma_wait3A_57] : memref<10240x128xf32, #tpu.memory_space<vmem_shared>> -> memref<10240x128xf32, #tpu.memory_space<vmem_shared>>
        tpu.wait_indirect_dma semaphore(%run_scoped3A_52 : memref<!tpu.dma_semaphore, #tpu.memory_space<semaphore_mem>>) src(%arg9 : memref<200x128xf32, #tpu.memory_space<vmem>>) dst(%dma_wait3A_58 : memref<10240x128xf32, #tpu.memory_space<vmem_shared>>)
        tpu.yield
      }) : () -> ()
    }
    %scan3A_7 = arith.constant 50 : i32
    %barrier3A_8 = arith.constant 0 : index
    tpu.barrier barrier_id(%barrier3A_8)
    %mul3A_9 = arith.constant 640 : i32
    %mul3A_10 = arith.muli %arg1, %mul3A_9 : i32
    %mul3A_11 = arith.constant 640 : i32
    %mul3A_12 = arith.muli %arg1, %mul3A_11 : i32
    %run_scoped3A_13 = arith.constant 0 : i32
    "tpu.region"() ({
      %run_scoped3A_43 = tpu.sem_alloc : memref<!tpu.dma_semaphore, #tpu.memory_space<semaphore_mem>>
      %dma_start3A = arith.constant 0 : i32
      %dma_start3A_44 = tpu.memref_slice %arg6[%run_scoped3A_13, %arg0, %mul3A_12, %dma_start3A] : memref<3x2x10240x128xf32, #tpu.memory_space<hbm>> -> memref<1x1x640x128xf32, #tpu.memory_space<hbm>>
      %dma_start3A_45 = tpu.memref_squeeze %dma_start3A_44 : memref<1x1x640x128xf32, #tpu.memory_space<hbm>> -> memref<640x128xf32, #tpu.memory_space<hbm>>
      %dma_start3A_46 = arith.constant 0 : i32
      %dma_start3A_47 = tpu.memref_slice %arg10[%mul3A_10, %dma_start3A_46] : memref<10240x128xf32, #tpu.memory_space<vmem_shared>> -> memref<640x128xf32, #tpu.memory_space<vmem_shared>>
      tpu.enqueue_dma source(%dma_start3A_47 : memref<640x128xf32, #tpu.memory_space<vmem_shared>>) target(%dma_start3A_45 : memref<640x128xf32, #tpu.memory_space<hbm>>) target_semaphore(%run_scoped3A_43 : memref<!tpu.dma_semaphore, #tpu.memory_space<semaphore_mem>>)
      %dma_wait3A = arith.constant 0 : i32
      %dma_wait3A_48 = tpu.memref_slice %arg6[%run_scoped3A_13, %arg0, %mul3A_12, %dma_wait3A] : memref<3x2x10240x128xf32, #tpu.memory_space<hbm>> -> memref<1x1x640x128xf32, #tpu.memory_space<hbm>>
      %dma_wait3A_49 = tpu.memref_squeeze %dma_wait3A_48 : memref<1x1x640x128xf32, #tpu.memory_space<hbm>> -> memref<640x128xf32, #tpu.memory_space<hbm>>
      %dma_wait3A_50 = arith.constant 0 : i32
      %dma_wait3A_51 = tpu.memref_slice %arg10[%mul3A_10, %dma_wait3A_50] : memref<10240x128xf32, #tpu.memory_space<vmem_shared>> -> memref<640x128xf32, #tpu.memory_space<vmem_shared>>
      tpu.wait_dma2 semaphore(%run_scoped3A_43 : memref<!tpu.dma_semaphore, #tpu.memory_space<semaphore_mem>>) src(%dma_wait3A_51 : memref<640x128xf32, #tpu.memory_space<vmem_shared>>) dst(%dma_wait3A_49 : memref<640x128xf32, #tpu.memory_space<hbm>>)
      tpu.yield
    }) : () -> ()
    %barrier3A_14 = arith.constant 0 : index
    tpu.barrier barrier_id(%barrier3A_14)
    %run_scoped3A_15 = arith.constant 1 : i32
    "tpu.region"() ({
      %run_scoped3A_43 = tpu.sem_alloc : memref<!tpu.dma_semaphore, #tpu.memory_space<semaphore_mem>>
      %dma_start3A = arith.constant 0 : i32
      %dma_start3A_44 = tpu.memref_slice %arg3[%run_scoped3A_15, %add3A, %dma_start3A] : memref<3x32x10000xi32, #tpu.memory_space<hbm>> -> memref<1x1x10000xi32, #tpu.memory_space<hbm>>
      %dma_start3A_45 = tpu.memref_squeeze %dma_start3A_44 : memref<1x1x10000xi32, #tpu.memory_space<hbm>> -> memref<10000xi32, #tpu.memory_space<hbm>>
      %dma_start3A_46 = arith.constant 0 : i32
      %dma_start3A_47 = tpu.memref_slice %arg3[%run_scoped3A_15, %add3A, %dma_start3A_46] : memref<3x32x10000xi32, #tpu.memory_space<hbm>> -> memref<1x1x10000xi32, #tpu.memory_space<hbm>>
      %dma_start3A_48 = tpu.memref_squeeze %dma_start3A_47 : memref<1x1x10000xi32, #tpu.memory_space<hbm>> -> memref<10000xi32, #tpu.memory_space<hbm>>
      tpu.enqueue_dma source(%dma_start3A_48 : memref<10000xi32, #tpu.memory_space<hbm>>) target(%arg7 : memref<10000xi32, #tpu.memory_space<vmem>>) target_semaphore(%run_scoped3A_43 : memref<!tpu.dma_semaphore, #tpu.memory_space<semaphore_mem>>)
      %dma_wait3A = arith.constant 0 : i32
      %dma_wait3A_49 = tpu.memref_slice %arg3[%run_scoped3A_15, %add3A, %dma_wait3A] : memref<3x32x10000xi32, #tpu.memory_space<hbm>> -> memref<1x1x10000xi32, #tpu.memory_space<hbm>>
      %dma_wait3A_50 = tpu.memref_squeeze %dma_wait3A_49 : memref<1x1x10000xi32, #tpu.memory_space<hbm>> -> memref<10000xi32, #tpu.memory_space<hbm>>
      %dma_wait3A_51 = arith.constant 0 : i32
      %dma_wait3A_52 = tpu.memref_slice %arg3[%run_scoped3A_15, %add3A, %dma_wait3A_51] : memref<3x32x10000xi32, #tpu.memory_space<hbm>> -> memref<1x1x10000xi32, #tpu.memory_space<hbm>>
      %dma_wait3A_53 = tpu.memref_squeeze %dma_wait3A_52 : memref<1x1x10000xi32, #tpu.memory_space<hbm>> -> memref<10000xi32, #tpu.memory_space<hbm>>
      tpu.wait_dma2 semaphore(%run_scoped3A_43 : memref<!tpu.dma_semaphore, #tpu.memory_space<semaphore_mem>>) src(%dma_wait3A_53 : memref<10000xi32, #tpu.memory_space<hbm>>) dst(%arg7 : memref<10000xi32, #tpu.memory_space<vmem>>)
      tpu.yield
    }) : () -> ()
    %run_scoped3A_16 = arith.constant 1 : i32
    "tpu.region"() ({
      %run_scoped3A_43 = tpu.sem_alloc : memref<!tpu.dma_semaphore, #tpu.memory_space<semaphore_mem>>
      %dma_start3A = arith.constant 0 : i32
      %dma_start3A_44 = tpu.memref_slice %arg4[%run_scoped3A_16, %add3A, %dma_start3A] : memref<3x32x10000xi32, #tpu.memory_space<hbm>> -> memref<1x1x10000xi32, #tpu.memory_space<hbm>>
      %dma_start3A_45 = tpu.memref_squeeze %dma_start3A_44 : memref<1x1x10000xi32, #tpu.memory_space<hbm>> -> memref<10000xi32, #tpu.memory_space<hbm>>
      %dma_start3A_46 = arith.constant 0 : i32
      %dma_start3A_47 = tpu.memref_slice %arg4[%run_scoped3A_16, %add3A, %dma_start3A_46] : memref<3x32x10000xi32, #tpu.memory_space<hbm>> -> memref<1x1x10000xi32, #tpu.memory_space<hbm>>
      %dma_start3A_48 = tpu.memref_squeeze %dma_start3A_47 : memref<1x1x10000xi32, #tpu.memory_space<hbm>> -> memref<10000xi32, #tpu.memory_space<hbm>>
      tpu.enqueue_dma source(%dma_start3A_48 : memref<10000xi32, #tpu.memory_space<hbm>>) target(%arg8 : memref<10000xi32, #tpu.memory_space<vmem>>) target_semaphore(%run_scoped3A_43 : memref<!tpu.dma_semaphore, #tpu.memory_space<semaphore_mem>>)
      %dma_wait3A = arith.constant 0 : i32
      %dma_wait3A_49 = tpu.memref_slice %arg4[%run_scoped3A_16, %add3A, %dma_wait3A] : memref<3x32x10000xi32, #tpu.memory_space<hbm>> -> memref<1x1x10000xi32, #tpu.memory_space<hbm>>
      %dma_wait3A_50 = tpu.memref_squeeze %dma_wait3A_49 : memref<1x1x10000xi32, #tpu.memory_space<hbm>> -> memref<10000xi32, #tpu.memory_space<hbm>>
      %dma_wait3A_51 = arith.constant 0 : i32
      %dma_wait3A_52 = tpu.memref_slice %arg4[%run_scoped3A_16, %add3A, %dma_wait3A_51] : memref<3x32x10000xi32, #tpu.memory_space<hbm>> -> memref<1x1x10000xi32, #tpu.memory_space<hbm>>
      %dma_wait3A_53 = tpu.memref_squeeze %dma_wait3A_52 : memref<1x1x10000xi32, #tpu.memory_space<hbm>> -> memref<10000xi32, #tpu.memory_space<hbm>>
      tpu.wait_dma2 semaphore(%run_scoped3A_43 : memref<!tpu.dma_semaphore, #tpu.memory_space<semaphore_mem>>) src(%dma_wait3A_53 : memref<10000xi32, #tpu.memory_space<hbm>>) dst(%arg8 : memref<10000xi32, #tpu.memory_space<vmem>>)
      tpu.yield
    }) : () -> ()
    %scan3A_17 = arith.constant 0 : i32
    %scan3A_18 = arith.constant 50 : i32
    %scan3A_19 = arith.addi %scan3A_17, %scan3A_18 : i32
    %scan3A_20 = arith.constant 1 : i32
    scf.for %scan3A_43 = %scan3A_17 to %scan3A_19 step %scan3A_20  : i32 {
      %mul3A_44 = arith.constant 1 : i32
      %mul3A_45 = arith.muli %scan3A_43, %mul3A_44 : i32
      %add3A_46 = arith.constant 0 : i32
      %add3A_47 = arith.addi %add3A_46, %mul3A_45 : i32
      %mul3A_48 = arith.constant 200 : i32
      %mul3A_49 = arith.muli %add3A_47, %mul3A_48 : i32
      "tpu.region"() ({
        %run_scoped3A_52 = tpu.sem_alloc : memref<!tpu.dma_semaphore, #tpu.memory_space<semaphore_mem>>
        %dma_start3A = tpu.memref_slice %arg7[%mul3A_49] : memref<10000xi32, #tpu.memory_space<vmem>> -> memref<200xi32, #tpu.memory_space<vmem>>
        %dma_start3A_53 = arith.constant 0 : i32
        %dma_start3A_54 = arith.constant 0 : i32
        %dma_start3A_55 = tpu.memref_slice %arg2[%dma_start3A_53, %dma_start3A_54] : memref<10000x128xf32, #tpu.memory_space<hbm>> -> memref<10000x128xf32, #tpu.memory_space<hbm>>
        tpu.enqueue_indirect_dma source(%dma_start3A_55 : memref<10000x128xf32, #tpu.memory_space<hbm>>) target(%arg9 : memref<200x128xf32, #tpu.memory_space<vmem>>) offsets(%dma_start3A : memref<200xi32, #tpu.memory_space<vmem>>) semaphore(%run_scoped3A_52 : memref<!tpu.dma_semaphore, #tpu.memory_space<semaphore_mem>>)
        %dma_wait3A = tpu.memref_slice %arg7[%mul3A_49] : memref<10000xi32, #tpu.memory_space<vmem>> -> memref<200xi32, #tpu.memory_space<vmem>>
        %dma_wait3A_56 = arith.constant 0 : i32
        %dma_wait3A_57 = arith.constant 0 : i32
        %dma_wait3A_58 = tpu.memref_slice %arg2[%dma_wait3A_56, %dma_wait3A_57] : memref<10000x128xf32, #tpu.memory_space<hbm>> -> memref<10000x128xf32, #tpu.memory_space<hbm>>
        tpu.wait_indirect_dma semaphore(%run_scoped3A_52 : memref<!tpu.dma_semaphore, #tpu.memory_space<semaphore_mem>>) src(%dma_wait3A_58 : memref<10000x128xf32, #tpu.memory_space<hbm>>) dst(%arg9 : memref<200x128xf32, #tpu.memory_space<vmem>>)
        tpu.yield
      }) : () -> ()
      %mul3A_50 = arith.constant 200 : i32
      %mul3A_51 = arith.muli %add3A_47, %mul3A_50 : i32
      "tpu.region"() ({
        %run_scoped3A_52 = tpu.sem_alloc : memref<!tpu.dma_semaphore, #tpu.memory_space<semaphore_mem>>
        %dma_start3A = tpu.memref_slice %arg8[%mul3A_51] : memref<10000xi32, #tpu.memory_space<vmem>> -> memref<200xi32, #tpu.memory_space<vmem>>
        %dma_start3A_53 = arith.constant 0 : i32
        %dma_start3A_54 = arith.constant 0 : i32
        %dma_start3A_55 = tpu.memref_slice %arg10[%dma_start3A_53, %dma_start3A_54] : memref<10240x128xf32, #tpu.memory_space<vmem_shared>> -> memref<10240x128xf32, #tpu.memory_space<vmem_shared>>
        tpu.enqueue_indirect_dma source(%arg9 : memref<200x128xf32, #tpu.memory_space<vmem>>) target(%dma_start3A_55 : memref<10240x128xf32, #tpu.memory_space<vmem_shared>>) offsets(%dma_start3A : memref<200xi32, #tpu.memory_space<vmem>>) semaphore(%run_scoped3A_52 : memref<!tpu.dma_semaphore, #tpu.memory_space<semaphore_mem>>) {add = true}
        %dma_wait3A = tpu.memref_slice %arg8[%mul3A_51] : memref<10000xi32, #tpu.memory_space<vmem>> -> memref<200xi32, #tpu.memory_space<vmem>>
        %dma_wait3A_56 = arith.constant 0 : i32
        %dma_wait3A_57 = arith.constant 0 : i32
        %dma_wait3A_58 = tpu.memref_slice %arg10[%dma_wait3A_56, %dma_wait3A_57] : memref<10240x128xf32, #tpu.memory_space<vmem_shared>> -> memref<10240x128xf32, #tpu.memory_space<vmem_shared>>
        tpu.wait_indirect_dma semaphore(%run_scoped3A_52 : memref<!tpu.dma_semaphore, #tpu.memory_space<semaphore_mem>>) src(%arg9 : memref<200x128xf32, #tpu.memory_space<vmem>>) dst(%dma_wait3A_58 : memref<10240x128xf32, #tpu.memory_space<vmem_shared>>)
        tpu.yield
      }) : () -> ()
    }
    %scan3A_21 = arith.constant 50 : i32
    %barrier3A_22 = arith.constant 0 : index
    tpu.barrier barrier_id(%barrier3A_22)
    %mul3A_23 = arith.constant 640 : i32
    %mul3A_24 = arith.muli %arg1, %mul3A_23 : i32
    %mul3A_25 = arith.constant 640 : i32
    %mul3A_26 = arith.muli %arg1, %mul3A_25 : i32
    %run_scoped3A_27 = arith.constant 1 : i32
    "tpu.region"() ({
      %run_scoped3A_43 = tpu.sem_alloc : memref<!tpu.dma_semaphore, #tpu.memory_space<semaphore_mem>>
      %dma_start3A = arith.constant 0 : i32
      %dma_start3A_44 = tpu.memref_slice %arg6[%run_scoped3A_27, %arg0, %mul3A_26, %dma_start3A] : memref<3x2x10240x128xf32, #tpu.memory_space<hbm>> -> memref<1x1x640x128xf32, #tpu.memory_space<hbm>>
      %dma_start3A_45 = tpu.memref_squeeze %dma_start3A_44 : memref<1x1x640x128xf32, #tpu.memory_space<hbm>> -> memref<640x128xf32, #tpu.memory_space<hbm>>
      %dma_start3A_46 = arith.constant 0 : i32
      %dma_start3A_47 = tpu.memref_slice %arg10[%mul3A_24, %dma_start3A_46] : memref<10240x128xf32, #tpu.memory_space<vmem_shared>> -> memref<640x128xf32, #tpu.memory_space<vmem_shared>>
      tpu.enqueue_dma source(%dma_start3A_47 : memref<640x128xf32, #tpu.memory_space<vmem_shared>>) target(%dma_start3A_45 : memref<640x128xf32, #tpu.memory_space<hbm>>) target_semaphore(%run_scoped3A_43 : memref<!tpu.dma_semaphore, #tpu.memory_space<semaphore_mem>>)
      %dma_wait3A = arith.constant 0 : i32
      %dma_wait3A_48 = tpu.memref_slice %arg6[%run_scoped3A_27, %arg0, %mul3A_26, %dma_wait3A] : memref<3x2x10240x128xf32, #tpu.memory_space<hbm>> -> memref<1x1x640x128xf32, #tpu.memory_space<hbm>>
      %dma_wait3A_49 = tpu.memref_squeeze %dma_wait3A_48 : memref<1x1x640x128xf32, #tpu.memory_space<hbm>> -> memref<640x128xf32, #tpu.memory_space<hbm>>
      %dma_wait3A_50 = arith.constant 0 : i32
      %dma_wait3A_51 = tpu.memref_slice %arg10[%mul3A_24, %dma_wait3A_50] : memref<10240x128xf32, #tpu.memory_space<vmem_shared>> -> memref<640x128xf32, #tpu.memory_space<vmem_shared>>
      tpu.wait_dma2 semaphore(%run_scoped3A_43 : memref<!tpu.dma_semaphore, #tpu.memory_space<semaphore_mem>>) src(%dma_wait3A_51 : memref<640x128xf32, #tpu.memory_space<vmem_shared>>) dst(%dma_wait3A_49 : memref<640x128xf32, #tpu.memory_space<hbm>>)
      tpu.yield
    }) : () -> ()
    %barrier3A_28 = arith.constant 0 : index
    tpu.barrier barrier_id(%barrier3A_28)
    %run_scoped3A_29 = arith.constant 2 : i32
    "tpu.region"() ({
      %run_scoped3A_43 = tpu.sem_alloc : memref<!tpu.dma_semaphore, #tpu.memory_space<semaphore_mem>>
      %dma_start3A = arith.constant 0 : i32
      %dma_start3A_44 = tpu.memref_slice %arg3[%run_scoped3A_29, %add3A, %dma_start3A] : memref<3x32x10000xi32, #tpu.memory_space<hbm>> -> memref<1x1x10000xi32, #tpu.memory_space<hbm>>
      %dma_start3A_45 = tpu.memref_squeeze %dma_start3A_44 : memref<1x1x10000xi32, #tpu.memory_space<hbm>> -> memref<10000xi32, #tpu.memory_space<hbm>>
      %dma_start3A_46 = arith.constant 0 : i32
      %dma_start3A_47 = tpu.memref_slice %arg3[%run_scoped3A_29, %add3A, %dma_start3A_46] : memref<3x32x10000xi32, #tpu.memory_space<hbm>> -> memref<1x1x10000xi32, #tpu.memory_space<hbm>>
      %dma_start3A_48 = tpu.memref_squeeze %dma_start3A_47 : memref<1x1x10000xi32, #tpu.memory_space<hbm>> -> memref<10000xi32, #tpu.memory_space<hbm>>
      tpu.enqueue_dma source(%dma_start3A_48 : memref<10000xi32, #tpu.memory_space<hbm>>) target(%arg7 : memref<10000xi32, #tpu.memory_space<vmem>>) target_semaphore(%run_scoped3A_43 : memref<!tpu.dma_semaphore, #tpu.memory_space<semaphore_mem>>)
      %dma_wait3A = arith.constant 0 : i32
      %dma_wait3A_49 = tpu.memref_slice %arg3[%run_scoped3A_29, %add3A, %dma_wait3A] : memref<3x32x10000xi32, #tpu.memory_space<hbm>> -> memref<1x1x10000xi32, #tpu.memory_space<hbm>>
      %dma_wait3A_50 = tpu.memref_squeeze %dma_wait3A_49 : memref<1x1x10000xi32, #tpu.memory_space<hbm>> -> memref<10000xi32, #tpu.memory_space<hbm>>
      %dma_wait3A_51 = arith.constant 0 : i32
      %dma_wait3A_52 = tpu.memref_slice %arg3[%run_scoped3A_29, %add3A, %dma_wait3A_51] : memref<3x32x10000xi32, #tpu.memory_space<hbm>> -> memref<1x1x10000xi32, #tpu.memory_space<hbm>>
      %dma_wait3A_53 = tpu.memref_squeeze %dma_wait3A_52 : memref<1x1x10000xi32, #tpu.memory_space<hbm>> -> memref<10000xi32, #tpu.memory_space<hbm>>
      tpu.wait_dma2 semaphore(%run_scoped3A_43 : memref<!tpu.dma_semaphore, #tpu.memory_space<semaphore_mem>>) src(%dma_wait3A_53 : memref<10000xi32, #tpu.memory_space<hbm>>) dst(%arg7 : memref<10000xi32, #tpu.memory_space<vmem>>)
      tpu.yield
    }) : () -> ()
    %run_scoped3A_30 = arith.constant 2 : i32
    "tpu.region"() ({
      %run_scoped3A_43 = tpu.sem_alloc : memref<!tpu.dma_semaphore, #tpu.memory_space<semaphore_mem>>
      %dma_start3A = arith.constant 0 : i32
      %dma_start3A_44 = tpu.memref_slice %arg4[%run_scoped3A_30, %add3A, %dma_start3A] : memref<3x32x10000xi32, #tpu.memory_space<hbm>> -> memref<1x1x10000xi32, #tpu.memory_space<hbm>>
      %dma_start3A_45 = tpu.memref_squeeze %dma_start3A_44 : memref<1x1x10000xi32, #tpu.memory_space<hbm>> -> memref<10000xi32, #tpu.memory_space<hbm>>
      %dma_start3A_46 = arith.constant 0 : i32
      %dma_start3A_47 = tpu.memref_slice %arg4[%run_scoped3A_30, %add3A, %dma_start3A_46] : memref<3x32x10000xi32, #tpu.memory_space<hbm>> -> memref<1x1x10000xi32, #tpu.memory_space<hbm>>
      %dma_start3A_48 = tpu.memref_squeeze %dma_start3A_47 : memref<1x1x10000xi32, #tpu.memory_space<hbm>> -> memref<10000xi32, #tpu.memory_space<hbm>>
      tpu.enqueue_dma source(%dma_start3A_48 : memref<10000xi32, #tpu.memory_space<hbm>>) target(%arg8 : memref<10000xi32, #tpu.memory_space<vmem>>) target_semaphore(%run_scoped3A_43 : memref<!tpu.dma_semaphore, #tpu.memory_space<semaphore_mem>>)
      %dma_wait3A = arith.constant 0 : i32
      %dma_wait3A_49 = tpu.memref_slice %arg4[%run_scoped3A_30, %add3A, %dma_wait3A] : memref<3x32x10000xi32, #tpu.memory_space<hbm>> -> memref<1x1x10000xi32, #tpu.memory_space<hbm>>
      %dma_wait3A_50 = tpu.memref_squeeze %dma_wait3A_49 : memref<1x1x10000xi32, #tpu.memory_space<hbm>> -> memref<10000xi32, #tpu.memory_space<hbm>>
      %dma_wait3A_51 = arith.constant 0 : i32
      %dma_wait3A_52 = tpu.memref_slice %arg4[%run_scoped3A_30, %add3A, %dma_wait3A_51] : memref<3x32x10000xi32, #tpu.memory_space<hbm>> -> memref<1x1x10000xi32, #tpu.memory_space<hbm>>
      %dma_wait3A_53 = tpu.memref_squeeze %dma_wait3A_52 : memref<1x1x10000xi32, #tpu.memory_space<hbm>> -> memref<10000xi32, #tpu.memory_space<hbm>>
      tpu.wait_dma2 semaphore(%run_scoped3A_43 : memref<!tpu.dma_semaphore, #tpu.memory_space<semaphore_mem>>) src(%dma_wait3A_53 : memref<10000xi32, #tpu.memory_space<hbm>>) dst(%arg8 : memref<10000xi32, #tpu.memory_space<vmem>>)
      tpu.yield
    }) : () -> ()
    %scan3A_31 = arith.constant 0 : i32
    %scan3A_32 = arith.constant 50 : i32
    %scan3A_33 = arith.addi %scan3A_31, %scan3A_32 : i32
    %scan3A_34 = arith.constant 1 : i32
    scf.for %scan3A_43 = %scan3A_31 to %scan3A_33 step %scan3A_34  : i32 {
      %mul3A_44 = arith.constant 1 : i32
      %mul3A_45 = arith.muli %scan3A_43, %mul3A_44 : i32
      %add3A_46 = arith.constant 0 : i32
      %add3A_47 = arith.addi %add3A_46, %mul3A_45 : i32
      %mul3A_48 = arith.constant 200 : i32
      %mul3A_49 = arith.muli %add3A_47, %mul3A_48 : i32
      "tpu.region"() ({
        %run_scoped3A_52 = tpu.sem_alloc : memref<!tpu.dma_semaphore, #tpu.memory_space<semaphore_mem>>
        %dma_start3A = tpu.memref_slice %arg7[%mul3A_49] : memref<10000xi32, #tpu.memory_space<vmem>> -> memref<200xi32, #tpu.memory_space<vmem>>
        %dma_start3A_53 = arith.constant 0 : i32
        %dma_start3A_54 = arith.constant 0 : i32
        %dma_start3A_55 = tpu.memref_slice %arg2[%dma_start3A_53, %dma_start3A_54] : memref<10000x128xf32, #tpu.memory_space<hbm>> -> memref<10000x128xf32, #tpu.memory_space<hbm>>
        tpu.enqueue_indirect_dma source(%dma_start3A_55 : memref<10000x128xf32, #tpu.memory_space<hbm>>) target(%arg9 : memref<200x128xf32, #tpu.memory_space<vmem>>) offsets(%dma_start3A : memref<200xi32, #tpu.memory_space<vmem>>) semaphore(%run_scoped3A_52 : memref<!tpu.dma_semaphore, #tpu.memory_space<semaphore_mem>>)
        %dma_wait3A = tpu.memref_slice %arg7[%mul3A_49] : memref<10000xi32, #tpu.memory_space<vmem>> -> memref<200xi32, #tpu.memory_space<vmem>>
        %dma_wait3A_56 = arith.constant 0 : i32
        %dma_wait3A_57 = arith.constant 0 : i32
        %dma_wait3A_58 = tpu.memref_slice %arg2[%dma_wait3A_56, %dma_wait3A_57] : memref<10000x128xf32, #tpu.memory_space<hbm>> -> memref<10000x128xf32, #tpu.memory_space<hbm>>
        tpu.wait_indirect_dma semaphore(%run_scoped3A_52 : memref<!tpu.dma_semaphore, #tpu.memory_space<semaphore_mem>>) src(%dma_wait3A_58 : memref<10000x128xf32, #tpu.memory_space<hbm>>) dst(%arg9 : memref<200x128xf32, #tpu.memory_space<vmem>>)
        tpu.yield
      }) : () -> ()
      %mul3A_50 = arith.constant 200 : i32
      %mul3A_51 = arith.muli %add3A_47, %mul3A_50 : i32
      "tpu.region"() ({
        %run_scoped3A_52 = tpu.sem_alloc : memref<!tpu.dma_semaphore, #tpu.memory_space<semaphore_mem>>
        %dma_start3A = tpu.memref_slice %arg8[%mul3A_51] : memref<10000xi32, #tpu.memory_space<vmem>> -> memref<200xi32, #tpu.memory_space<vmem>>
        %dma_start3A_53 = arith.constant 0 : i32
        %dma_start3A_54 = arith.constant 0 : i32
        %dma_start3A_55 = tpu.memref_slice %arg10[%dma_start3A_53, %dma_start3A_54] : memref<10240x128xf32, #tpu.memory_space<vmem_shared>> -> memref<10240x128xf32, #tpu.memory_space<vmem_shared>>
        tpu.enqueue_indirect_dma source(%arg9 : memref<200x128xf32, #tpu.memory_space<vmem>>) target(%dma_start3A_55 : memref<10240x128xf32, #tpu.memory_space<vmem_shared>>) offsets(%dma_start3A : memref<200xi32, #tpu.memory_space<vmem>>) semaphore(%run_scoped3A_52 : memref<!tpu.dma_semaphore, #tpu.memory_space<semaphore_mem>>) {add = true}
        %dma_wait3A = tpu.memref_slice %arg8[%mul3A_51] : memref<10000xi32, #tpu.memory_space<vmem>> -> memref<200xi32, #tpu.memory_space<vmem>>
        %dma_wait3A_56 = arith.constant 0 : i32
        %dma_wait3A_57 = arith.constant 0 : i32
        %dma_wait3A_58 = tpu.memref_slice %arg10[%dma_wait3A_56, %dma_wait3A_57] : memref<10240x128xf32, #tpu.memory_space<vmem_shared>> -> memref<10240x128xf32, #tpu.memory_space<vmem_shared>>
        tpu.wait_indirect_dma semaphore(%run_scoped3A_52 : memref<!tpu.dma_semaphore, #tpu.memory_space<semaphore_mem>>) src(%arg9 : memref<200x128xf32, #tpu.memory_space<vmem>>) dst(%dma_wait3A_58 : memref<10240x128xf32, #tpu.memory_space<vmem_shared>>)
        tpu.yield
      }) : () -> ()
    }
    %scan3A_35 = arith.constant 50 : i32
    %barrier3A_36 = arith.constant 0 : index
    tpu.barrier barrier_id(%barrier3A_36)
    %mul3A_37 = arith.constant 640 : i32
    %mul3A_38 = arith.muli %arg1, %mul3A_37 : i32
    %mul3A_39 = arith.constant 640 : i32
    %mul3A_40 = arith.muli %arg1, %mul3A_39 : i32
    %run_scoped3A_41 = arith.constant 2 : i32
    "tpu.region"() ({
      %run_scoped3A_43 = tpu.sem_alloc : memref<!tpu.dma_semaphore, #tpu.memory_space<semaphore_mem>>
      %dma_start3A = arith.constant 0 : i32
      %dma_start3A_44 = tpu.memref_slice %arg6[%run_scoped3A_41, %arg0, %mul3A_40, %dma_start3A] : memref<3x2x10240x128xf32, #tpu.memory_space<hbm>> -> memref<1x1x640x128xf32, #tpu.memory_space<hbm>>
      %dma_start3A_45 = tpu.memref_squeeze %dma_start3A_44 : memref<1x1x640x128xf32, #tpu.memory_space<hbm>> -> memref<640x128xf32, #tpu.memory_space<hbm>>
      %dma_start3A_46 = arith.constant 0 : i32
      %dma_start3A_47 = tpu.memref_slice %arg10[%mul3A_38, %dma_start3A_46] : memref<10240x128xf32, #tpu.memory_space<vmem_shared>> -> memref<640x128xf32, #tpu.memory_space<vmem_shared>>
      tpu.enqueue_dma source(%dma_start3A_47 : memref<640x128xf32, #tpu.memory_space<vmem_shared>>) target(%dma_start3A_45 : memref<640x128xf32, #tpu.memory_space<hbm>>) target_semaphore(%run_scoped3A_43 : memref<!tpu.dma_semaphore, #tpu.memory_space<semaphore_mem>>)
      %dma_wait3A = arith.constant 0 : i32
      %dma_wait3A_48 = tpu.memref_slice %arg6[%run_scoped3A_41, %arg0, %mul3A_40, %dma_wait3A] : memref<3x2x10240x128xf32, #tpu.memory_space<hbm>> -> memref<1x1x640x128xf32, #tpu.memory_space<hbm>>
      %dma_wait3A_49 = tpu.memref_squeeze %dma_wait3A_48 : memref<1x1x640x128xf32, #tpu.memory_space<hbm>> -> memref<640x128xf32, #tpu.memory_space<hbm>>
      %dma_wait3A_50 = arith.constant 0 : i32
      %dma_wait3A_51 = tpu.memref_slice %arg10[%mul3A_38, %dma_wait3A_50] : memref<10240x128xf32, #tpu.memory_space<vmem_shared>> -> memref<640x128xf32, #tpu.memory_space<vmem_shared>>
      tpu.wait_dma2 semaphore(%run_scoped3A_43 : memref<!tpu.dma_semaphore, #tpu.memory_space<semaphore_mem>>) src(%dma_wait3A_51 : memref<640x128xf32, #tpu.memory_space<vmem_shared>>) dst(%dma_wait3A_49 : memref<640x128xf32, #tpu.memory_space<hbm>>)
      tpu.yield
    }) : () -> ()
    %barrier3A_42 = arith.constant 0 : index
    tpu.barrier barrier_id(%barrier3A_42)
    return
  }
}

module attributes {stable_mosaic.version = 14 : i64} {
  func.func @body(%arg0: i32, %arg1: memref<3x2x1024x128xf32, #tpu.memory_space<vmem>>, %arg2: memref<3x128x128xf32, #tpu.memory_space<vmem>>, %arg3: memref<3x1x128xf32, #tpu.memory_space<vmem>>, %arg4: memref<3x128x128xf32, #tpu.memory_space<vmem>>, %arg5: memref<1x128xf32, #tpu.memory_space<vmem>>, %arg6: memref<1024x128xf32, #tpu.memory_space<vmem>>) attributes {dimension_semantics = [#tpu.dimension_semantics<arbitrary>], iteration_bounds = array<i64: 10>, scalar_prefetch = 0 : i64, scratch_operands = 0 : i64, tpu.core_type = #tpu.core_type<tc>, window_params = [{transform_indices = @transform_0, window_bounds = array<i64: 3, 2, 1024, 128>}, {pipeline_mode = #tpu.pipeline_mode<synchronous>, transform_indices = @transform_1, window_bounds = array<i64: 3, 128, 128>}, {pipeline_mode = #tpu.pipeline_mode<synchronous>, transform_indices = @transform_2, window_bounds = array<i64: 3, 1, 128>}, {pipeline_mode = #tpu.pipeline_mode<synchronous>, transform_indices = @transform_3, window_bounds = array<i64: 3, 128, 128>}, {pipeline_mode = #tpu.pipeline_mode<synchronous>, transform_indices = @transform_4, window_bounds = array<i64: 1, 128>}, {transform_indices = @transform_5, window_bounds = array<i64: 1024, 128>}]} {
    %broadcast_in_dim3A = arith.constant 0.000000e+00 : f32
    %broadcast_in_dim3A_0 = vector.broadcast %broadcast_in_dim3A : f32 to vector<1024x128xf32>
    %get3A = arith.constant 0 : index
    %get3A_1 = arith.constant 0 : index
    %get3A_2 = vector.load %arg5[%get3A, %get3A_1] : memref<1x128xf32, #tpu.memory_space<vmem>>, vector<1x128xf32>
    %add3A = vector.broadcast %get3A_2 : vector<1x128xf32> to vector<1024x128xf32>
    %add3A_3 = arith.addf %broadcast_in_dim3A_0, %add3A : vector<1024x128xf32>
    %broadcast_in_dim3A_4 = arith.constant 0.000000e+00 : f32
    %broadcast_in_dim3A_5 = vector.broadcast %broadcast_in_dim3A_4 : f32 to vector<1024x128xf32>
    %get3A_6 = arith.constant 0 : index
    %get3A_7 = arith.constant 0 : index
    %get3A_8 = arith.constant 0 : index
    %get3A_9 = arith.constant 0 : index
    %get3A_10 = vector.load %arg1[%get3A_6, %get3A_7, %get3A_8, %get3A_9] : memref<3x2x1024x128xf32, #tpu.memory_space<vmem>>, vector<1x1x1024x128xf32>
    %get3A_11 = vector.shape_cast %get3A_10 : vector<1x1x1024x128xf32> to vector<1024x128xf32>
    %get3A_12 = arith.constant 0 : index
    %get3A_13 = arith.constant 1 : index
    %get3A_14 = arith.constant 0 : index
    %get3A_15 = arith.constant 0 : index
    %get3A_16 = vector.load %arg1[%get3A_12, %get3A_13, %get3A_14, %get3A_15] : memref<3x2x1024x128xf32, #tpu.memory_space<vmem>>, vector<1x1x1024x128xf32>
    %get3A_17 = vector.shape_cast %get3A_16 : vector<1x1x1024x128xf32> to vector<1024x128xf32>
    %add3A_18 = arith.addf %get3A_11, %get3A_17 : vector<1024x128xf32>
    %sub3A = arith.subf %add3A_18, %broadcast_in_dim3A_5 : vector<1024x128xf32>
    %get3A_19 = arith.constant 0 : index
    %get3A_20 = arith.constant 0 : index
    %get3A_21 = arith.constant 0 : index
    %get3A_22 = vector.load %arg2[%get3A_19, %get3A_20, %get3A_21] : memref<3x128x128xf32, #tpu.memory_space<vmem>>, vector<1x128x128xf32>
    %get3A_23 = vector.shape_cast %get3A_22 : vector<1x128x128xf32> to vector<128x128xf32>
    %dot_general3A = arith.constant dense<0.000000e+00> : vector<1024x128xf32>
    %dot_general3A_24 = tpu.matmul %sub3A, %get3A_23, %dot_general3A {dimension_numbers = #tpu.dot_dimension_numbers<[1], [0], [0], [1], [0, 0, 1, 1], [], []>, transpose_lhs_hint = false} : vector<1024x128xf32>, vector<128x128xf32>, vector<1024x128xf32> -> vector<1024x128xf32>
    %get3A_25 = arith.constant 0 : index
    %get3A_26 = arith.constant 0 : index
    %get3A_27 = arith.constant 0 : index
    %get3A_28 = vector.load %arg3[%get3A_25, %get3A_26, %get3A_27] : memref<3x1x128xf32, #tpu.memory_space<vmem>>, vector<1x1x128xf32>
    %get3A_29 = vector.shape_cast %get3A_28 : vector<1x1x128xf32> to vector<1x128xf32>
    %add3A_30 = vector.broadcast %get3A_29 : vector<1x128xf32> to vector<1024x128xf32>
    %add3A_31 = arith.addf %dot_general3A_24, %add3A_30 : vector<1024x128xf32>
    %ge3A = arith.constant 0.000000e+00 : f32
    %ge3A_32 = vector.broadcast %ge3A : f32 to vector<1024x128xf32>
    %ge3A_33 = arith.cmpf oge, %add3A_31, %ge3A_32 : vector<1024x128xf32>
    %mul3A = arith.constant 0.00999999977 : f32
    %mul3A_34 = vector.broadcast %mul3A : f32 to vector<1024x128xf32>
    %mul3A_35 = arith.mulf %mul3A_34, %add3A_31 : vector<1024x128xf32>
    %select_n3A = arith.select %ge3A_33, %add3A_31, %mul3A_35 : vector<1024x128xi1>, vector<1024x128xf32>
    %get3A_36 = arith.constant 0 : index
    %get3A_37 = arith.constant 0 : index
    %get3A_38 = arith.constant 0 : index
    %get3A_39 = vector.load %arg4[%get3A_36, %get3A_37, %get3A_38] : memref<3x128x128xf32, #tpu.memory_space<vmem>>, vector<1x128x128xf32>
    %get3A_40 = vector.shape_cast %get3A_39 : vector<1x128x128xf32> to vector<128x128xf32>
    %dot_general3A_41 = arith.constant dense<0.000000e+00> : vector<1024x128xf32>
    %dot_general3A_42 = tpu.matmul %select_n3A, %get3A_40, %dot_general3A_41 {dimension_numbers = #tpu.dot_dimension_numbers<[1], [0], [0], [1], [0, 0, 1, 1], [], []>, transpose_lhs_hint = false} : vector<1024x128xf32>, vector<128x128xf32>, vector<1024x128xf32> -> vector<1024x128xf32>
    %add3A_43 = arith.addf %add3A_3, %dot_general3A_42 : vector<1024x128xf32>
    %get3A_44 = arith.constant 1 : index
    %get3A_45 = arith.constant 0 : index
    %get3A_46 = arith.constant 0 : index
    %get3A_47 = arith.constant 0 : index
    %get3A_48 = vector.load %arg1[%get3A_44, %get3A_45, %get3A_46, %get3A_47] : memref<3x2x1024x128xf32, #tpu.memory_space<vmem>>, vector<1x1x1024x128xf32>
    %get3A_49 = vector.shape_cast %get3A_48 : vector<1x1x1024x128xf32> to vector<1024x128xf32>
    %get3A_50 = arith.constant 1 : index
    %get3A_51 = arith.constant 1 : index
    %get3A_52 = arith.constant 0 : index
    %get3A_53 = arith.constant 0 : index
    %get3A_54 = vector.load %arg1[%get3A_50, %get3A_51, %get3A_52, %get3A_53] : memref<3x2x1024x128xf32, #tpu.memory_space<vmem>>, vector<1x1x1024x128xf32>
    %get3A_55 = vector.shape_cast %get3A_54 : vector<1x1x1024x128xf32> to vector<1024x128xf32>
    %add3A_56 = arith.addf %get3A_49, %get3A_55 : vector<1024x128xf32>
    %sub3A_57 = arith.subf %add3A_56, %add3A_18 : vector<1024x128xf32>
    %get3A_58 = arith.constant 1 : index
    %get3A_59 = arith.constant 0 : index
    %get3A_60 = arith.constant 0 : index
    %get3A_61 = vector.load %arg2[%get3A_58, %get3A_59, %get3A_60] : memref<3x128x128xf32, #tpu.memory_space<vmem>>, vector<1x128x128xf32>
    %get3A_62 = vector.shape_cast %get3A_61 : vector<1x128x128xf32> to vector<128x128xf32>
    %dot_general3A_63 = arith.constant dense<0.000000e+00> : vector<1024x128xf32>
    %dot_general3A_64 = tpu.matmul %sub3A_57, %get3A_62, %dot_general3A_63 {dimension_numbers = #tpu.dot_dimension_numbers<[1], [0], [0], [1], [0, 0, 1, 1], [], []>, transpose_lhs_hint = false} : vector<1024x128xf32>, vector<128x128xf32>, vector<1024x128xf32> -> vector<1024x128xf32>
    %get3A_65 = arith.constant 1 : index
    %get3A_66 = arith.constant 0 : index
    %get3A_67 = arith.constant 0 : index
    %get3A_68 = vector.load %arg3[%get3A_65, %get3A_66, %get3A_67] : memref<3x1x128xf32, #tpu.memory_space<vmem>>, vector<1x1x128xf32>
    %get3A_69 = vector.shape_cast %get3A_68 : vector<1x1x128xf32> to vector<1x128xf32>
    %add3A_70 = vector.broadcast %get3A_69 : vector<1x128xf32> to vector<1024x128xf32>
    %add3A_71 = arith.addf %dot_general3A_64, %add3A_70 : vector<1024x128xf32>
    %ge3A_72 = arith.constant 0.000000e+00 : f32
    %ge3A_73 = vector.broadcast %ge3A_72 : f32 to vector<1024x128xf32>
    %ge3A_74 = arith.cmpf oge, %add3A_71, %ge3A_73 : vector<1024x128xf32>
    %mul3A_75 = arith.constant 0.00999999977 : f32
    %mul3A_76 = vector.broadcast %mul3A_75 : f32 to vector<1024x128xf32>
    %mul3A_77 = arith.mulf %mul3A_76, %add3A_71 : vector<1024x128xf32>
    %select_n3A_78 = arith.select %ge3A_74, %add3A_71, %mul3A_77 : vector<1024x128xi1>, vector<1024x128xf32>
    %get3A_79 = arith.constant 1 : index
    %get3A_80 = arith.constant 0 : index
    %get3A_81 = arith.constant 0 : index
    %get3A_82 = vector.load %arg4[%get3A_79, %get3A_80, %get3A_81] : memref<3x128x128xf32, #tpu.memory_space<vmem>>, vector<1x128x128xf32>
    %get3A_83 = vector.shape_cast %get3A_82 : vector<1x128x128xf32> to vector<128x128xf32>
    %dot_general3A_84 = arith.constant dense<0.000000e+00> : vector<1024x128xf32>
    %dot_general3A_85 = tpu.matmul %select_n3A_78, %get3A_83, %dot_general3A_84 {dimension_numbers = #tpu.dot_dimension_numbers<[1], [0], [0], [1], [0, 0, 1, 1], [], []>, transpose_lhs_hint = false} : vector<1024x128xf32>, vector<128x128xf32>, vector<1024x128xf32> -> vector<1024x128xf32>
    %add3A_86 = arith.addf %add3A_43, %dot_general3A_85 : vector<1024x128xf32>
    %get3A_87 = arith.constant 2 : index
    %get3A_88 = arith.constant 0 : index
    %get3A_89 = arith.constant 0 : index
    %get3A_90 = arith.constant 0 : index
    %get3A_91 = vector.load %arg1[%get3A_87, %get3A_88, %get3A_89, %get3A_90] : memref<3x2x1024x128xf32, #tpu.memory_space<vmem>>, vector<1x1x1024x128xf32>
    %get3A_92 = vector.shape_cast %get3A_91 : vector<1x1x1024x128xf32> to vector<1024x128xf32>
    %get3A_93 = arith.constant 2 : index
    %get3A_94 = arith.constant 1 : index
    %get3A_95 = arith.constant 0 : index
    %get3A_96 = arith.constant 0 : index
    %get3A_97 = vector.load %arg1[%get3A_93, %get3A_94, %get3A_95, %get3A_96] : memref<3x2x1024x128xf32, #tpu.memory_space<vmem>>, vector<1x1x1024x128xf32>
    %get3A_98 = vector.shape_cast %get3A_97 : vector<1x1x1024x128xf32> to vector<1024x128xf32>
    %add3A_99 = arith.addf %get3A_92, %get3A_98 : vector<1024x128xf32>
    %sub3A_100 = arith.subf %add3A_99, %add3A_56 : vector<1024x128xf32>
    %get3A_101 = arith.constant 2 : index
    %get3A_102 = arith.constant 0 : index
    %get3A_103 = arith.constant 0 : index
    %get3A_104 = vector.load %arg2[%get3A_101, %get3A_102, %get3A_103] : memref<3x128x128xf32, #tpu.memory_space<vmem>>, vector<1x128x128xf32>
    %get3A_105 = vector.shape_cast %get3A_104 : vector<1x128x128xf32> to vector<128x128xf32>
    %dot_general3A_106 = arith.constant dense<0.000000e+00> : vector<1024x128xf32>
    %dot_general3A_107 = tpu.matmul %sub3A_100, %get3A_105, %dot_general3A_106 {dimension_numbers = #tpu.dot_dimension_numbers<[1], [0], [0], [1], [0, 0, 1, 1], [], []>, transpose_lhs_hint = false} : vector<1024x128xf32>, vector<128x128xf32>, vector<1024x128xf32> -> vector<1024x128xf32>
    %get3A_108 = arith.constant 2 : index
    %get3A_109 = arith.constant 0 : index
    %get3A_110 = arith.constant 0 : index
    %get3A_111 = vector.load %arg3[%get3A_108, %get3A_109, %get3A_110] : memref<3x1x128xf32, #tpu.memory_space<vmem>>, vector<1x1x128xf32>
    %get3A_112 = vector.shape_cast %get3A_111 : vector<1x1x128xf32> to vector<1x128xf32>
    %add3A_113 = vector.broadcast %get3A_112 : vector<1x128xf32> to vector<1024x128xf32>
    %add3A_114 = arith.addf %dot_general3A_107, %add3A_113 : vector<1024x128xf32>
    %ge3A_115 = arith.constant 0.000000e+00 : f32
    %ge3A_116 = vector.broadcast %ge3A_115 : f32 to vector<1024x128xf32>
    %ge3A_117 = arith.cmpf oge, %add3A_114, %ge3A_116 : vector<1024x128xf32>
    %mul3A_118 = arith.constant 0.00999999977 : f32
    %mul3A_119 = vector.broadcast %mul3A_118 : f32 to vector<1024x128xf32>
    %mul3A_120 = arith.mulf %mul3A_119, %add3A_114 : vector<1024x128xf32>
    %select_n3A_121 = arith.select %ge3A_117, %add3A_114, %mul3A_120 : vector<1024x128xi1>, vector<1024x128xf32>
    %get3A_122 = arith.constant 2 : index
    %get3A_123 = arith.constant 0 : index
    %get3A_124 = arith.constant 0 : index
    %get3A_125 = vector.load %arg4[%get3A_122, %get3A_123, %get3A_124] : memref<3x128x128xf32, #tpu.memory_space<vmem>>, vector<1x128x128xf32>
    %get3A_126 = vector.shape_cast %get3A_125 : vector<1x128x128xf32> to vector<128x128xf32>
    %dot_general3A_127 = arith.constant dense<0.000000e+00> : vector<1024x128xf32>
    %dot_general3A_128 = tpu.matmul %select_n3A_121, %get3A_126, %dot_general3A_127 {dimension_numbers = #tpu.dot_dimension_numbers<[1], [0], [0], [1], [0, 0, 1, 1], [], []>, transpose_lhs_hint = false} : vector<1024x128xf32>, vector<128x128xf32>, vector<1024x128xf32> -> vector<1024x128xf32>
    %add3A_129 = arith.addf %add3A_86, %dot_general3A_128 : vector<1024x128xf32>
    %ge3A_130 = arith.constant 0.000000e+00 : f32
    %ge3A_131 = vector.broadcast %ge3A_130 : f32 to vector<1024x128xf32>
    %ge3A_132 = arith.cmpf oge, %add3A_129, %ge3A_131 : vector<1024x128xf32>
    %mul3A_133 = arith.constant 0.00999999977 : f32
    %mul3A_134 = vector.broadcast %mul3A_133 : f32 to vector<1024x128xf32>
    %mul3A_135 = arith.mulf %mul3A_134, %add3A_129 : vector<1024x128xf32>
    %select_n3A_136 = arith.select %ge3A_132, %add3A_129, %mul3A_135 : vector<1024x128xi1>, vector<1024x128xf32>
    %swap3A = arith.constant 0 : index
    %swap3A_137 = arith.constant 0 : index
    %swap3A_138 = vector.load %arg6[%swap3A, %swap3A_137] : memref<1024x128xf32, #tpu.memory_space<vmem>>, vector<1024x128xf32>
    tpu.vector_store %arg6[%swap3A, %swap3A_137], %select_n3A_136 {strides = array<i32>} : memref<1024x128xf32, #tpu.memory_space<vmem>>, vector<1024x128xf32>,
    return
  }
  func.func @transform_0(%arg0: i32) -> (i32, i32, i32, i32) {
    %c0_i32 = arith.constant 0 : i32
    %c0_i32_0 = arith.constant 0 : i32
    %c0_i32_1 = arith.constant 0 : i32
    %c0_i32_2 = arith.constant 0 : i32
    return %c0_i32, %c0_i32_0, %arg0, %c0_i32_1 : i32, i32, i32, i32
  }
  func.func @transform_1(%arg0: i32) -> (i32, i32, i32) {
    %c0_i32 = arith.constant 0 : i32
    %c0_i32_0 = arith.constant 0 : i32
    %c0_i32_1 = arith.constant 0 : i32
    %c0_i32_2 = arith.constant 0 : i32
    return %c0_i32, %c0_i32_0, %c0_i32_1 : i32, i32, i32
  }
  func.func @transform_2(%arg0: i32) -> (i32, i32, i32) {
    %c0_i32 = arith.constant 0 : i32
    %c0_i32_0 = arith.constant 0 : i32
    %c0_i32_1 = arith.constant 0 : i32
    %c0_i32_2 = arith.constant 0 : i32
    return %c0_i32, %c0_i32_0, %c0_i32_1 : i32, i32, i32
  }
  func.func @transform_3(%arg0: i32) -> (i32, i32, i32) {
    %c0_i32 = arith.constant 0 : i32
    %c0_i32_0 = arith.constant 0 : i32
    %c0_i32_1 = arith.constant 0 : i32
    %c0_i32_2 = arith.constant 0 : i32
    return %c0_i32, %c0_i32_0, %c0_i32_1 : i32, i32, i32
  }
  func.func @transform_4(%arg0: i32) -> (i32, i32) {
    %c0_i32 = arith.constant 0 : i32
    %c0_i32_0 = arith.constant 0 : i32
    %c0_i32_1 = arith.constant 0 : i32
    return %c0_i32, %c0_i32_0 : i32, i32
  }
  func.func @transform_5(%arg0: i32) -> (i32, i32) {
    %c0_i32 = arith.constant 0 : i32
    %c0_i32_0 = arith.constant 0 : i32
    return %arg0, %c0_i32 : i32, i32
  }
}

</mosaic_0001>

<sc_bundles>
// kernel: kernel.4.cloned.1.call-start
scs
__scs_entry_jumppad:
0x0: {  	(pc) =	sbr.rel $0x88, $3  }
0x1: {  	(tag) =	ssettag $0x0;
	lr =	simm.s32 $0x1  }
0x2: {  	[smem:$0x3F95] =	sst lr;
	_ =	strace $0xD0000000  }
0x3: {  	_ = 	snop  }
0x4: {  	_ = 	snop  }
0x5: {  	_ = 	snop  }
0x6: {  	_ = 	snop  }
0x7: {  	_ = 	snop  }
__scs_overlays_trampoline_lowered:
0x8: {  	[smem:$0x3FA4] =	sst s0  }
0x9: {  	[smem:$0x3FA5] =	sst s1  }
0xa: {  	[smem:$0x3FA6] =	sst s2  }
0xb: {  	[smem:$0x3FA7] =	sst s3  }
0xc: {  	[smem:$0x3FA8] =	sst s4  }
0xd: {  	[smem:$0x3FA9] =	sst s5  }
0xe: {  	[smem:$0x3FAA] =	sst s6  }
0xf: {  	[smem:$0x3FAB] =	sst s7  }
0x10: {  	[smem:$0x3FAC] =	sst s8  }
0x11: {  	[smem:$0x3FAD] =	sst s9;
	s0 =	simm.s32 @!p0 $0x0  }
0x12: {  	s1 =	sld [smem:$0x3F93];
	s0 =	simm.s32 @p0 $0x1  }
0x13: {  	[smem:$0x3FAE] =	sst s0;
	s0 =	simm.s32 @!p1 $0x0  }
0x14: {  	s2 =	sld [smem:$0x3F92];
	s0 =	simm.s32 @p1 $0x1  }
0x15: {  	[smem:$0x3FAF] =	sst s0;
	s0 =	simm.s32 @!p2 $0x0  }
0x16: {  	s3 =	sld [smem:$0x3FDB];
	s0 =	simm.s32 @p2 $0x1  }
0x17: {  	s4 =	simm.s32 $0x1BF5;
	[smem:$0x3FB1] =	sst s0  }
0x18: {  	s0 =	sld [smem:$0x3F94];
	_ =	swait.ge [sflag:s4], $0x0  }
0x19: {  	s7 =	sld [smem:$0x3F95]  }
0x1a: {  	s8 =	sadd.s32 $0xFFFFE003, lr  }
0x1b: {  	s9 =	sadd.s32 $0xFFFFFEF7, lr;
	s5 =	simm.s32 $0xFFFFFFFF;
	p2 =	slt.u32 s8, $0xFFFFF086  }
0x1c: {  	p1 =	slt.u32 s9, $0xF7A;
	s5 =	simm.s32 @!p2 $0x0  }
0x1d: {  	s5 =	simm.s32 @p1 $0x1;
	p0 =	seq.s32 s7, s2  }
0x1e: {  	s7 =	smul.u32 @!p0 $0xF7A, s2;
	p2 =	seq.s32 @!p0 s5, $0x0  }
0x1f: {  	s9 =	smul.u32 $0xF7A, s1;
	s8 =	simm.s32 @!p0 $0x1BF5;
	p2 =	por !p2, p0  }
0x20: {  	[sflag:s8] =	ssyncset.s32 @!p0 $0xFFFFF086;
	s6 =	sadd.s32 @!p0 s3, s7;
	s7 =	simm.s32 @!p0 $0x108  }
0x21: {  	s3 =	sadd.s32 s3, s9;
	s6 =	sadd.s32 @!p0 $0x88, s6;
	s7 =	simm.s32 @p2 $0x1082  }
0x22: {  	[simem:s7], [sflag:s8] =	dma.local @!p0 [hbm:s6], $0xF7A  }
0x23: {  	s9 =	sor.u32 $0xD0000000, s2;
	s6 =	simm.s32 $0x108;
	_ =	swait.ge @!p0 [sflag:s8], $0x0  }
0x24: {  	s3 =	sadd.s32 $0x88, s3;
	s6 =	simm.s32 @!p1 $0x1082;
	[sflag:s4] =	ssyncset.s32 $0xFFFFF086  }
0x25: {  	[simem:s6], [sflag:s4] =	dma.local [hbm:s3], $0xF7A  }
0x26: {  	[smem:$0x3F95] =	sst s1;
	(tag) =	ssettag s2;
	_ =	strace s9  }
0x27: {  	s1 =	sld [smem:$0x3FA5]  }
0x28: {  	s2 =	sld [smem:$0x3FA6]  }
0x29: {  	s4 =	sld [smem:$0x3FA8]  }
0x2a: {  	p0 =	seq.s32 s5, $0x0;
	s5 =	sld [smem:$0x3FA9]  }
0x2b: {  	s6 =	sld [smem:$0x3FAA]  }
0x2c: {  	s7 =	sld [smem:$0x3FAB]  }
0x2d: {  	s3 =	simm.s32 $0x108;
	s8 =	sld [smem:$0x3FAC]  }
0x2e: {  	s3 =	simm.s32 @!p0 $0x1082;
	s9 =	sld [smem:$0x3FAD]  }
0x2f: {  	lr =	sadd.s32 s0, s3;
	s0 =	sld [smem:$0x3FA4]  }
0x30: {  	s3 =	sld [smem:$0x3FA7]  }
0x31: {  	[smem:$0x3FB0] =	sst s10  }
0x32: {  	s10 =	sld [smem:$0x3FAE];
	_ =	sdelay $0x3  }
0x33: {  	p0 =	seq.s32 s10, $0x1;
	s10 =	sld [smem:$0x3FB0];
	_ =	sdelay $0x3  }
0x34: {  	[smem:$0x3FB0] =	sst s10  }
0x35: {  	s10 =	sld [smem:$0x3FAF];
	_ =	sdelay $0x3  }
0x36: {  	p1 =	seq.s32 s10, $0x1;
	s10 =	sld [smem:$0x3FB0];
	_ =	sdelay $0x3  }
0x37: {  	[smem:$0x3FB0] =	sst s10  }
0x38: {  	s10 =	sld [smem:$0x3FB1]  }
0x39: {  	_ = 	snop;
	(pc) =	sbr.ind lr, $3  }
0x3a: {  	_ = 	snop  }
0x3b: {  	_ = 	snop  }
0x3c: {  	p2 =	seq.s32 s10, $0x1;
	s10 =	sld [smem:$0x3FB0]  }
0x3d: {  	_ =	shalt  }
0x3e: {  	_ =	shalt  }
0x3f: {  	_ =	shalt  }
0x40: {  	_ =	shalt  }
0x41: {  	_ =	shalt  }
0x42: {  	_ =	shalt  }
0x43: {  	_ =	shalt  }
0x44: {  	_ =	shalt  }
0x45: {  	_ =	shalt  }
0x46: {  	_ =	shalt  }
0x47: {  	_ =	shalt  }
0x48: {  	_ =	shalt  }
0x49: {  	_ =	shalt  }
0x4a: {  	_ =	shalt  }
0x4b: {  	_ =	shalt  }
0x4c: {  	_ =	shalt  }
0x4d: {  	_ =	shalt  }
0x4e: {  	_ =	shalt  }
0x4f: {  	_ =	shalt  }
0x50: {  	_ =	shalt  }
0x51: {  	_ =	shalt  }
0x52: {  	_ =	shalt  }
0x53: {  	_ =	shalt  }
0x54: {  	_ =	shalt  }
0x55: {  	_ =	shalt  }
0x56: {  	_ =	shalt  }
0x57: {  	_ =	shalt  }
0x58: {  	_ =	shalt  }
0x59: {  	_ =	shalt  }
0x5a: {  	_ =	shalt  }
0x5b: {  	_ =	shalt  }
0x5c: {  	_ =	shalt  }
0x5d: {  	_ =	shalt  }
0x5e: {  	_ =	shalt  }
0x5f: {  	_ =	shalt  }
0x60: {  	_ =	shalt  }
0x61: {  	_ =	shalt  }
0x62: {  	_ =	shalt  }
0x63: {  	_ =	shalt  }
0x64: {  	_ =	shalt  }
0x65: {  	_ =	shalt  }
0x66: {  	_ =	shalt  }
0x67: {  	_ =	shalt  }
0x68: {  	_ =	shalt  }
0x69: {  	_ =	shalt  }
0x6a: {  	_ =	shalt  }
0x6b: {  	_ =	shalt  }
0x6c: {  	_ =	shalt  }
0x6d: {  	_ =	shalt  }
0x6e: {  	_ =	shalt  }
0x6f: {  	_ =	shalt  }
0x70: {  	_ =	shalt  }
0x71: {  	_ =	shalt  }
0x72: {  	_ =	shalt  }
0x73: {  	_ =	shalt  }
0x74: {  	_ =	shalt  }
0x75: {  	_ =	shalt  }
0x76: {  	_ =	shalt  }
0x77: {  	_ =	shalt  }
0x78: {  	_ =	shalt  }
0x79: {  	_ =	shalt  }
0x7a: {  	_ =	shalt  }
0x7b: {  	_ =	shalt  }
0x7c: {  	_ =	shalt  }
0x7d: {  	_ =	shalt  }
0x7e: {  	_ =	shalt  }
0x7f: {  	_ =	shalt  }
0x80: {  	_ =	shalt  }
0x81: {  	_ =	shalt  }
0x82: {  	_ =	shalt  }
0x83: {  	_ =	shalt  }
0x84: {  	_ =	shalt  }
0x85: {  	_ =	shalt  }
0x86: {  	_ =	shalt  }
0x87: {  	_ =	shalt  }
.Lfunc_end0:
.L_simem_size_0:
called_computation_lowered:
.L_overlay_start_0:
0x88: {  	s2 =	sld [smem:$0x3FD9]  }
0x89: {  	s3 =	sld [smem:$0x3FFE];
	_ =	sdelay $0x1  }
0x8a: {  	s1 =	srdreg.scid  }
0x8b: {  	s0 =	sand.u32 $0x1, s1  }
0x8c: {  	s17 =	sshll.u32 s0, $0xA;
	s2 =	sadd.s32 s3, s2  }
0x8d: {  	s2 =	sadd.s32 s2, s17  }
0x8e: {  	[smem:$0x3FBC] =	sst s2  }
0x8f: {  	_ = 	snop  }
0x90: {  	s2 =	sld [smem:$0x3FC9]  }
0x91: {  	s18 =	sld [smem:$0x3FD0];
	(tm) =	ssettm $0x1  }
0x92: {  	s4 =	sld [smem:$0x3FFB];
	_ =	sdelay $0x3  }
0x93: {  	_ =	strace s4  }
0x94: {  	s4 =	sld [smem:$0x3FFC];
	_ =	sdelay $0x3  }
0x95: {  	_ =	strace s4  }
0x96: {  	s4 =	sld [smem:$0x3FFD];
	_ =	sdelay $0x3  }
0x97: {  	_ =	strace s4  }
0x98: {  	_ =	strace $0x8FFFFFFF  }
0x99: {  	s19 =	sld [smem:$0x3FDB];
	_ =	sdelay $0x1  }
0x9a: {  	s5 =	simm.s32 $_scs_section_size  }
0x9b: {  	s6 =	simm.s32 $_size__tile_overlayer_lowered;
	s7 =	simm.s32 $_tile_overlayer_lowered  }
0x9c: {  	s22 =	simm.s32 $0x1BFF;
	s21 =	sshll.u32 s7, $0x1;
	s4 =	sadd.s32 s5, s19  }
0x9d: {  	s8 =	simm.s32 $0x0;
	s20 =	sshll.u32 s6, $0x1;
	s6 =	sadd.s32 s21, s4  }
0x9e: {  	[timem:s8], [sflag:s22] =	dma.local [hbm:s6], s20  }
0x9f: {  	_ =	swait.ge [sflag:s22], s20  }
0xa0: {  	s5 =	ssub.s32 $0x0, s20;
	[sflag:s22] =	ssyncset.done $0x0  }
0xa1: {  	[sflag:s22] =	ssyncadd.s32 s5;
	_ =	sdelay $0x1  }
0xa2: {  	s23 =	simm.s32 $0x1B8B  }
0xa3: {  	_ =	swait.ge [sflag:s23], $0x1  }
0xa4: {  	[sflag:s23] =	ssyncset.done $0x0  }
0xa5: {  	s25 =	simm.s32 $0x1B8E;
	s24 =	sld [smem:$0x3FFE];
	[sflag:s23] =	ssyncadd.s32 $0xFFFFFFFF  }
0xa6: {  	s26 =	simm.s32 $execute0_lowered;
	[smem:$0x3FD2] =	sst s25  }
0xa7: {  	s6 =	sshll.u32 s26, $0x1;
	_ =	strace $0x80000046;
	[dreg:$0x1] =	wrdreg $0xFFFFFFFF  }
0xa8: {  	s28 =	simm.s32 $_size_execute0_lowered;
	s4 =	sadd.s32 s4, s6;
	[dreg:$0x0] =	wrdreg $0x0  }
0xa9: {  	s6 =	sshll.u32 s28, $0x1;
	[dreg:$0x2] =	wrdreg s4  }
0xaa: {  	[dreg:$0x3] =	wrdreg s6  }
0xab: {  	[dreg:$0x4] =	wrdreg $0xC0  }
0xac: {  	_ =	task [dreg:s8], $0x5FFFF  }
0xad: {  	[dreg:$0x1] =	wrdreg $0xFFFFFFFF  }
0xae: {  	[dreg:$0x0] =	wrdreg $0x60  }
0xaf: {  	[dreg:$0x2] =	wrdreg s2  }
0xb0: {  	[dreg:$0x3] =	wrdreg s18  }
0xb1: {  	[dreg:$0x4] =	wrdreg s24  }
0xb2: {  	[dreg:$0x5] =	wrdreg $0xB3000  }
0xb3: {  	[dreg:$0x6] =	wrdreg $0x9  }
0xb4: {  	_ =	task.clear_ibuf [dreg:s8], $0x7FFFF;
	_ =	strace $0x90000046  }
0xb5: {  	s29 =	simm.s32 $0x9;
	_ =	strace $0x80000048  }
0xb6: {  	_ =	swait.ge [sflag:s29], $0x1  }
0xb7: {  	[sflag:s29] =	ssyncadd.s32 $0xFFFFFFFF  }
0xb8: {  	_ =	strace $0x90000048  }
0xb9: {  	_ =	sfence  }
0xba: {  	s30 =	sld [smem:$0x0];
	_ =	sdelay $0x2  }
0xbb: {  	s31 =	sshll.u32 s1, $0xD;
	s1 =	sshrl.u32 s1, $0x2  }
0xbc: {  	s3 =	sand.u32 $0x4000, s31;
	s1 =	sadd.s32 s1, s30  }
0xbd: {  	s0 =	sor.u32 s3, s0;
	s1 =	sshll.u32 s1, $0x11  }
0xbe: {  	s0 =	sor.u32 s1, s0  }
0xbf: {  	s0 =	sadd.s32 $0x8F2B, s0  }
0xc0: {  	[sflag:s0] =	ssyncadd.remote.s32 $0x1  }
0xc1: {  	_ =	sfence.sel $0xFFFF  }
0xc2: {  	[dreg:$0x0] =	wrdreg $0xFFFFFFFF;
	(pc) =	sbr.abs _section_cstart, $3  }
0xc3: {  	[dreg:$0x1] =	wrdreg $0xFFFFFFFF  }
0xc4: {  	_ =	task.clear_ibuf [dreg:s8], $0x2FFFF;
	_ =	strace $0x9FFFFFFF  }
0xc5: {  	(tm) =	ssettm $0x7FFFFFFF  }
tec
execute0_lowered:
.L_overlay_start_1:
0x0: {  	(tag) =	ssettag $0x1  }
0x1: {  	s0 =	rddreg [dreg:$0x0]  }
0x2: {  	s13 =	rddreg [dreg:$0x1]  }
0x3: {  	s6 =	rddreg [dreg:$0x2]  }
0x4: {  	s1 =	srdreg.scid;
	s3 =	rddreg [dreg:$0x3]  }
0x5: {  	s2 =	stileid.u32;
	s4 =	simm.s32 $0x0;
	s19 =	simm.s32 $0x80  }
0x6: {  	s20 =	simm.s32 $0x400;
	s21 =	simm.s32 $0x2780;
	s22 =	simm.s32 $0xC8  }
0x7: {  	s7 =	sand.u32 $0x1, s1;
	s1 =	rddreg [dreg:$0x4];
	s8 =	smul.u32 $0x14000, s2  }
0x8: {  	s23 =	simm.s32 $0x4F00;
	[smem:$0x7FF] =	sst s4;
	s25 =	smul.u32 $0x50000, s2  }
0x9: {  	s14 =	sadd.s32 $0xC00, s6;
	s10 =	sshll.u32 s2, $0x7;
	s5 =	smul.u32 $0x140000, s7  }
0xa: {  	s30 =	sshll.u32 s2, $0x6;
	_ =	strace $0x80000047;
	s9 =	sshll.u32 s7, $0x4  }
0xb: {  	s7 =	ssub.s32 $0x2, s7;
	s24 =	sor.u32 s2, s9;
	s5 =	sadd.s32 s8, s5  }
0xc: {  	s26 =	sshrl.u32 s7, $0x1;
	s28 =	sshrl.u32 s25, $0x2;
	s8 =	sshrl.u32 s5, $0x3  }
0xd: {  	s5 =	sadd.s32 $0x1E600, s6;
	s15 =	sadd.s32 s8, s6;
	s6 =	sshrl.u32 s24, $0x3  }
0xe: {  	s16 =	ssub.s32 s7, s26;
	s17 =	sadd.s32 s28, s3;
	s6 =	smul.u32 $0x13C00, s6  }
0xf: {  	s29 =	sand.u32 $0x380, s10;
	s16 =	smax.u32 s16, $0x1;
	s17 =	sshrl.u32 s17, $0x3  }
0x10: {  	s24 =	simm.s32 $0x0;
	s9 =	sadd.s32 $0x20E00, s15;
	s11 =	sor.u32 s29, s6  }
0x11: {  	s6 =	sor.u32 $0x1C01, s30;
	s8 =	sshrl.u32 s11, $0x3;
	s31 =	sadd.s32 $0x4F000, s11  }
0x12: {  	s18 =	sadd.s32 $0x9E000, s11;
	s7 =	sadd.s32 s13, s8;
	s12 =	sshrl.u32 s31, $0x3  }
0x13: {  	s8 =	sadd.s32 s14, s8;
	s18 =	sshrl.u32 s18, $0x3;
	s10 =	sadd.s32 s13, s12  }
0x14: {  	s11 =	sadd.s32 s14, s12;
	s12 =	sadd.s32 $0x70E00, s15;
	s13 =	sadd.s32 s13, s18  }
0x15: {  	s14 =	sadd.s32 s14, s18;
	s15 =	sadd.s32 $0xC0E00, s15;
	s18 =	simm.s32 $0x1  }
.LBB2_1:
0x16: {  	[spmem:s17], [sflag:s6] =	dma.local [hbm:s5], $0x2800  }
0x17: {  	_ =	swait.ge [sflag:s18], $0x2800  }
0x18: {  	[sflag:s18] =	ssyncset.done $0x0  }
0x19: {  	[sflag:s18] =	ssyncadd.s32 $0xFFFFD800  }
0x1a: {  	[bflag:$0x0] =	sbarrier.arrive $0xFFFF  }
0x1b: {  	[tilespmem:s4], [sflag:$0x1] =	stream.strided.gather [hbm4b:s7+s19], $0x2780, s20, s19, $0x38;
	[tilespmem:$0x1F300] =	vst v63  }
0x1c: {  	_ =	swait.ge [sflag:s18], $0x2780  }
0x1d: {  	[sflag:s18] =	ssyncset.done $0x0  }
0x1e: {  	[sflag:s18] =	ssyncadd.s32 $0xFFFFD880  }
0x1f: {  	[tilespmem:s21], [sflag:$0x1] =	stream.strided.gather [hbm4b:s8+s19], $0x2780, s20, s19, $0x38;
	[tilespmem:$0x1F300] =	vst v63  }
0x20: {  	_ =	swait.ge [sflag:s18], $0x2780  }
0x21: {  	[sflag:s18] =	ssyncset.done $0x0  }
0x22: {  	s25 =	simm.s32 $0x0;
	[sflag:s18] =	ssyncadd.s32 $0xFFFFD880  }
0x23: {  	[tilespmem:s23], [sflag:$0x1] =	stream.indirect.gather [hbm4b:s0+s22], $0x80, s25, s22, $0xb8;
	[tilespmem:$0x1F300] =	vst v63  }
0x24: {  	_ =	swait.ge [sflag:s18], $0x6400  }
0x25: {  	[sflag:s18] =	ssyncset.done $0x0  }
0x26: {  	s31 =	simm.s32 $0x2780;
	[sflag:s18] =	ssyncadd.s32 $0xFFFF9C00  }
0x27: {  	[spmem:s3] =	stream.indirect.scatter.add.f32 [tilespmem:s23], [sflag:$0x1], $0x80, s31, s22, $0xb8;
	[tilespmem:$0x1F300] =	vst v63  }
0x28: {  	_ =	swait.ge [sflag:s18], $0x6400  }
0x29: {  	s26 =	simm.s32 $0x640;
	s25 =	simm.s32 $0x320;
	[sflag:s18] =	ssyncset.done $0x0  }
.LBB2_2:
0x2a: {  	s28 =	sshra.s32 s25, $0x2  }
0x2b: {  	[sflag:s18] =	ssyncadd.s32 $0xFFFF9C00;
	s25 =	smov.u32 s26;
	s29 =	sadd.s32 $0x320, s26  }
0x2c: {  	[tilespmem:s23], [sflag:$0x1] =	stream.indirect.gather [hbm4b:s0+s22], $0x80, s28, s22, $0xb8;
	[tilespmem:$0x1F300] =	vst v63  }
0x2d: {  	p0 =	sne.s32 s26, $0x9920;
	_ =	swait.ge [sflag:s18], $0x6400  }
.Ltmp0:
0x2e: {  	[sflag:s18] =	ssyncset.done $0x0;
	(pc) =	sbr.rel @p0 .LBB2_2-.Ltmp0, $4  }
0x2f: {  	s26 =	sadd.s32 $0x2780, s28;
	[sflag:s18] =	ssyncadd.s32 $0xFFFF9C00  }
0x30: {  	[spmem:s3] =	stream.indirect.scatter.add.f32 [tilespmem:s23], [sflag:$0x1], $0x80, s26, s22, $0xb8;
	[tilespmem:$0x1F300] =	vst v63  }
0x31: {  	_ =	swait.ge [sflag:s18], $0x6400  }
0x32: {  	s26 =	smov.u32 s29;
	[sflag:s18] =	ssyncset.done $0x0  }
0x33: {  	s25 =	sshra.s32 s25, $0x2;
	[sflag:s18] =	ssyncadd.s32 $0xFFFF9C00  }
0x34: {  	[tilespmem:s23], [sflag:$0x1] =	stream.indirect.gather [hbm4b:s0+s22], $0x80, s25, s22, $0xb8;
	[tilespmem:$0x1F300] =	vst v63  }
0x35: {  	_ =	swait.ge [sflag:s18], $0x6400  }
0x36: {  	[sflag:s18] =	ssyncset.done $0x0  }
0x37: {  	s25 =	sadd.s32 $0x2780, s25;
	[sflag:s18] =	ssyncadd.s32 $0xFFFF9C00  }
0x38: {  	[spmem:s3] =	stream.indirect.scatter.add.f32 [tilespmem:s23], [sflag:$0x1], $0x80, s25, s22, $0xb8;
	[tilespmem:$0x1F300] =	vst v63  }
0x39: {  	_ =	swait.ge [sflag:s18], $0x6400  }
0x3a: {  	[sflag:s18] =	ssyncset.done $0x0  }
0x3b: {  	[sflag:s18] =	ssyncadd.s32 $0xFFFF9C00  }
0x3c: {  	[bflag:$0x0] =	sbarrier.arrive $0xFFFF  }
0x3d: {  	[hbm:s9], [sflag:s6] =	dma.local [spmem:s17], $0x2800  }
0x3e: {  	_ =	swait.ge [sflag:s18], $0x2800  }
0x3f: {  	[sflag:s18] =	ssyncset.done $0x0  }
0x40: {  	[sflag:s18] =	ssyncadd.s32 $0xFFFFD800  }
0x41: {  	s29 =	simm.s32 $0x0;
	[bflag:$0x0] =	sbarrier.arrive $0xFFFF  }
0x42: {  	[tilespmem:s29], [sflag:$0x1] =	stream.strided.gather [hbm4b:s10+s19], $0x2780, s20, s19, $0x38;
	[tilespmem:$0x1F300] =	vst v63  }
0x43: {  	_ =	swait.ge [sflag:s18], $0x2780  }
0x44: {  	[sflag:s18] =	ssyncset.done $0x0  }
0x45: {  	[sflag:s18] =	ssyncadd.s32 $0xFFFFD880  }
0x46: {  	[tilespmem:s21], [sflag:$0x1] =	stream.strided.gather [hbm4b:s11+s19], $0x2780, s20, s19, $0x38;
	[tilespmem:$0x1F300] =	vst v63  }
0x47: {  	_ =	swait.ge [sflag:s18], $0x2780  }
0x48: {  	[sflag:s18] =	ssyncset.done $0x0  }
0x49: {  	s30 =	simm.s32 $0x0;
	[sflag:s18] =	ssyncadd.s32 $0xFFFFD880  }
0x4a: {  	[tilespmem:s23], [sflag:$0x1] =	stream.indirect.gather [hbm4b:s0+s22], $0x80, s30, s22, $0xb8;
	[tilespmem:$0x1F300] =	vst v63  }
0x4b: {  	_ =	swait.ge [sflag:s18], $0x6400  }
0x4c: {  	[sflag:s18] =	ssyncset.done $0x0  }
0x4d: {  	s31 =	simm.s32 $0x2780;
	[sflag:s18] =	ssyncadd.s32 $0xFFFF9C00  }
0x4e: {  	[spmem:s3] =	stream.indirect.scatter.add.f32 [tilespmem:s23], [sflag:$0x1], $0x80, s31, s22, $0xb8;
	[tilespmem:$0x1F300] =	vst v63  }
0x4f: {  	_ =	swait.ge [sflag:s18], $0x6400  }
0x50: {  	s26 =	simm.s32 $0x640;
	s25 =	simm.s32 $0x320;
	[sflag:s18] =	ssyncset.done $0x0  }
.LBB2_4:
0x51: {  	s28 =	sshra.s32 s25, $0x2  }
0x52: {  	[sflag:s18] =	ssyncadd.s32 $0xFFFF9C00;
	s25 =	smov.u32 s26;
	s29 =	sadd.s32 $0x320, s26  }
0x53: {  	[tilespmem:s23], [sflag:$0x1] =	stream.indirect.gather [hbm4b:s0+s22], $0x80, s28, s22, $0xb8;
	[tilespmem:$0x1F300] =	vst v63  }
0x54: {  	p0 =	sne.s32 s26, $0x9920;
	_ =	swait.ge [sflag:s18], $0x6400  }
.Ltmp1:
0x55: {  	[sflag:s18] =	ssyncset.done $0x0;
	(pc) =	sbr.rel @p0 .LBB2_4-.Ltmp1, $4  }
0x56: {  	s26 =	sadd.s32 $0x2780, s28;
	[sflag:s18] =	ssyncadd.s32 $0xFFFF9C00  }
0x57: {  	[spmem:s3] =	stream.indirect.scatter.add.f32 [tilespmem:s23], [sflag:$0x1], $0x80, s26, s22, $0xb8;
	[tilespmem:$0x1F300] =	vst v63  }
0x58: {  	_ =	swait.ge [sflag:s18], $0x6400  }
0x59: {  	s26 =	smov.u32 s29;
	[sflag:s18] =	ssyncset.done $0x0  }
0x5a: {  	s25 =	sshra.s32 s25, $0x2;
	[sflag:s18] =	ssyncadd.s32 $0xFFFF9C00  }
0x5b: {  	[tilespmem:s23], [sflag:$0x1] =	stream.indirect.gather [hbm4b:s0+s22], $0x80, s25, s22, $0xb8;
	[tilespmem:$0x1F300] =	vst v63  }
0x5c: {  	_ =	swait.ge [sflag:s18], $0x6400  }
0x5d: {  	[sflag:s18] =	ssyncset.done $0x0  }
0x5e: {  	s25 =	sadd.s32 $0x2780, s25;
	[sflag:s18] =	ssyncadd.s32 $0xFFFF9C00  }
0x5f: {  	[spmem:s3] =	stream.indirect.scatter.add.f32 [tilespmem:s23], [sflag:$0x1], $0x80, s25, s22, $0xb8;
	[tilespmem:$0x1F300] =	vst v63  }
0x60: {  	_ =	swait.ge [sflag:s18], $0x6400  }
0x61: {  	[sflag:s18] =	ssyncset.done $0x0  }
0x62: {  	[sflag:s18] =	ssyncadd.s32 $0xFFFF9C00  }
0x63: {  	[bflag:$0x0] =	sbarrier.arrive $0xFFFF  }
0x64: {  	[hbm:s12], [sflag:s6] =	dma.local [spmem:s17], $0x2800  }
0x65: {  	_ =	swait.ge [sflag:s18], $0x2800  }
0x66: {  	[sflag:s18] =	ssyncset.done $0x0  }
0x67: {  	[sflag:s18] =	ssyncadd.s32 $0xFFFFD800  }
0x68: {  	s29 =	simm.s32 $0x0;
	[bflag:$0x0] =	sbarrier.arrive $0xFFFF  }
0x69: {  	[tilespmem:s29], [sflag:$0x1] =	stream.strided.gather [hbm4b:s13+s19], $0x2780, s20, s19, $0x38;
	[tilespmem:$0x1F300] =	vst v63  }
0x6a: {  	_ =	swait.ge [sflag:s18], $0x2780  }
0x6b: {  	[sflag:s18] =	ssyncset.done $0x0  }
0x6c: {  	[sflag:s18] =	ssyncadd.s32 $0xFFFFD880  }
0x6d: {  	[tilespmem:s21], [sflag:$0x1] =	stream.strided.gather [hbm4b:s14+s19], $0x2780, s20, s19, $0x38;
	[tilespmem:$0x1F300] =	vst v63  }
0x6e: {  	_ =	swait.ge [sflag:s18], $0x2780  }
0x6f: {  	[sflag:s18] =	ssyncset.done $0x0  }
0x70: {  	s30 =	simm.s32 $0x0;
	[sflag:s18] =	ssyncadd.s32 $0xFFFFD880  }
0x71: {  	[tilespmem:s23], [sflag:$0x1] =	stream.indirect.gather [hbm4b:s0+s22], $0x80, s30, s22, $0xb8;
	[tilespmem:$0x1F300] =	vst v63  }
0x72: {  	_ =	swait.ge [sflag:s18], $0x6400  }
0x73: {  	[sflag:s18] =	ssyncset.done $0x0  }
0x74: {  	s31 =	simm.s32 $0x2780;
	[sflag:s18] =	ssyncadd.s32 $0xFFFF9C00  }
0x75: {  	[spmem:s3] =	stream.indirect.scatter.add.f32 [tilespmem:s23], [sflag:$0x1], $0x80, s31, s22, $0xb8;
	[tilespmem:$0x1F300] =	vst v63  }
0x76: {  	_ =	swait.ge [sflag:s18], $0x6400  }
0x77: {  	s26 =	simm.s32 $0x640;
	s25 =	simm.s32 $0x320;
	[sflag:s18] =	ssyncset.done $0x0  }
.LBB2_6:
0x78: {  	s28 =	sshra.s32 s25, $0x2  }
0x79: {  	[sflag:s18] =	ssyncadd.s32 $0xFFFF9C00;
	s25 =	smov.u32 s26;
	s29 =	sadd.s32 $0x320, s26  }
0x7a: {  	[tilespmem:s23], [sflag:$0x1] =	stream.indirect.gather [hbm4b:s0+s22], $0x80, s28, s22, $0xb8;
	[tilespmem:$0x1F300] =	vst v63  }
0x7b: {  	p0 =	sne.s32 s26, $0x9920;
	_ =	swait.ge [sflag:s18], $0x6400  }
.Ltmp2:
0x7c: {  	[sflag:s18] =	ssyncset.done $0x0;
	(pc) =	sbr.rel @p0 .LBB2_6-.Ltmp2, $4  }
0x7d: {  	s26 =	sadd.s32 $0x2780, s28;
	[sflag:s18] =	ssyncadd.s32 $0xFFFF9C00  }
0x7e: {  	[spmem:s3] =	stream.indirect.scatter.add.f32 [tilespmem:s23], [sflag:$0x1], $0x80, s26, s22, $0xb8;
	[tilespmem:$0x1F300] =	vst v63  }
0x7f: {  	_ =	swait.ge [sflag:s18], $0x6400  }
0x80: {  	s26 =	smov.u32 s29;
	[sflag:s18] =	ssyncset.done $0x0  }
0x81: {  	s25 =	sshra.s32 s25, $0x2;
	[sflag:s18] =	ssyncadd.s32 $0xFFFF9C00  }
0x82: {  	[tilespmem:s23], [sflag:$0x1] =	stream.indirect.gather [hbm4b:s0+s22], $0x80, s25, s22, $0xb8;
	[tilespmem:$0x1F300] =	vst v63  }
0x83: {  	_ =	swait.ge [sflag:s18], $0x6400  }
0x84: {  	[sflag:s18] =	ssyncset.done $0x0  }
0x85: {  	s25 =	sadd.s32 $0x2780, s25;
	[sflag:s18] =	ssyncadd.s32 $0xFFFF9C00  }
0x86: {  	[spmem:s3] =	stream.indirect.scatter.add.f32 [tilespmem:s23], [sflag:$0x1], $0x80, s25, s22, $0xb8;
	[tilespmem:$0x1F300] =	vst v63  }
0x87: {  	_ =	swait.ge [sflag:s18], $0x6400  }
0x88: {  	[sflag:s18] =	ssyncset.done $0x0  }
0x89: {  	s24 =	sadd.s32 $0x1, s24;
	[sflag:s18] =	ssyncadd.s32 $0xFFFF9C00  }
0x8a: {  	p0 =	sne.s32 s24, s16;
	[bflag:$0x0] =	sbarrier.arrive $0xFFFF  }
0x8b: {  	[hbm:s15], [sflag:s6] =	dma.local [spmem:s17], $0x2800  }
.Ltmp3:
0x8c: {  	_ =	swait.ge [sflag:s18], $0x2800;
	(pc) =	sbr.rel @p0 .LBB2_1-.Ltmp3, $3  }
0x8d: {  	[sflag:s18] =	ssyncset.done $0x0  }
0x8e: {  	[sflag:s18] =	ssyncadd.s32 $0xFFFFD800  }
0x8f: {  	[bflag:$0x0] =	sbarrier.arrive $0xFFFF;
	_ =	sdelay $0x1  }
0x90: {  	_ =	sfence.sel $0x180000  }
0x91: {  	[bflag:$0x0] =	sbarrier.arrive $0xFFFF  }
0x92: {  	p0 =	sne.s32 s2, $0x0;
	_ =	strace $0x90000047  }
0x93: {  	s0 =	sadd.s32 @!p0 $0x100000, s1;
	[bflag:$0x2] =	sbarrier.arrive $0xFFFF  }
0x94: {  	[sflag:s0] =	ssyncadd.tile.s32 @!p0 $0x1;
	_ =	shalt  }
.Lfunc_end2:
_tile_overlayer_lowered:
.L_overlay_start_2:
0x95: {  	(tag) =	ssettag $0x2  }
0x96: {  	s0 =	rddreg [dreg:$0x0];
	s2 =	stileid.u32  }
0x97: {  	s1 =	rddreg [dreg:$0x1];
	p0 =	sne.s32 s2, $0x0  }
0x98: {  	s3 =	rddreg [dreg:$0x2];
	[bflag:$0x3] =	sbarrier.arrive $0xFFFF;
	s2 =	simm.s32 @!p0 $0x1C01  }
0x99: {  	[timem:s3], [sflag:s2] =	dma.local @!p0 [hbm:s0], s1  }
0x9a: {  	s0 =	simm.s32 @!p0 $0x1  }
0x9b: {  	_ =	swait.ge @!p0 [sflag:s0], s1  }
0x9c: {  	s1 =	ssub.s32 @!p0 $0x0, s1;
	[sflag:s0] =	ssyncset.done @!p0 $0x0  }
0x9d: {  	[sflag:s0] =	ssyncadd.s32 @!p0 s1  }
0x9e: {  	[bflag:$0x3] =	sbarrier.arrive $0xFFFF  }
0x9f: {  	_ =	shalt  }

</sc_bundles>
